<compile_context>
chip_gen: v7x
topology: tpu7x:2x2x1
jax: 0.10.2.dev20260603
libtpu: 0.0.44.dev20260713+nightly
codegen_flags: <defaults>
</compile_context>

<pallas_src>
import functools

import jax
import jax.numpy as jnp
from jax.experimental import pallas as pl
from jax.experimental.pallas import tpu as pltpu
from jax.experimental.pallas import tpu_sc as plsc

EMBED = 32
LANES = 128
K = 8


def kernel(x, table):
    B, L = x.shape
    n_idx = B * L
    assert n_idx % (K * LANES) == 0
    x2 = x.reshape(n_idx // LANES, LANES)
    n_steps = n_idx // (K * LANES)
    mesh = plsc.VectorSubcoreMesh(core_axis_name="c", subcore_axis_name="s")

    @functools.partial(
        pl.kernel,
        out_type=jax.ShapeDtypeStruct((n_idx, EMBED), table.dtype),
        mesh=mesh,
        scratch_types=[pltpu.SemaphoreType.DMA],
        compiler_params=pltpu.CompilerParams(use_tc_tiling_on_sc=False),
    )
    def gather_kernel(table_hbm, idx_hbm, out_hbm, sem):
        def body(idx_vmem, out_vmem):
            copies = [
                pltpu.async_copy(
                    table_hbm.at[idx_vmem.at[j]],
                    out_vmem.at[pl.ds(j * LANES, LANES)],
                    sem,
                )
                for j in range(K)
            ]
            for c in copies:
                c.wait()

        pltpu.emit_pipeline(
            body,
            grid=(n_steps,),
            in_specs=[pl.BlockSpec((K, LANES), lambda i: (i, 0))],
            out_specs=[pl.BlockSpec((K * LANES, EMBED), lambda i: (i, 0))],
            core_axis_name=("c", "s"),
            dimension_semantics=(pltpu.PARALLEL,),
        )(idx_hbm, out_hbm)

    return gather_kernel(table, x2).reshape(B, L, EMBED)

# --- scband reference (transcript-rebuilt; emitter-appended) ---
"""Pipeline reference for scband-word-embedding-40218073760083 (READ-ONLY COPY).

The authoritative reference and input builder live on the scoring server;
editing this copy changes nothing except your own understanding.
"""

import jax, jax.numpy as jnp
import numpy as np

VOCAB = 1000000
EMBED = 32
B = 16384
L = 200

def setup_inputs(seed: int = 0) -> dict:
    key = jax.random.key(seed)
    k1, k2 = jax.random.split(key)
    x = jax.random.randint(k1, (B, L), 0, VOCAB, dtype=jnp.int64 if jax.config.jax_enable_x64 else jnp.int32).astype(jnp.int32)
    table = jax.random.normal(k2, (VOCAB, EMBED), dtype=jnp.float32)
    return {"x": x, "table": table}

def reference(x, table):
    # nn.Embedding forward: row gather from the embedding table
    return jnp.take(table, x, axis=0)

if __name__ == "__main__":
    import jax
    _d = setup_inputs()
    print(jax.jit(kernel)(*tuple(_d.values())))

</pallas_src>

<mosaic_0001>
#map = affine_map<(d0, d1) -> (0, 0)>
module attributes {stable_mosaic.version = 14 : i64} {
  func.func @gather_kernel(%arg0: i32, %arg1: i32, %arg2: memref<1000000x32xf32, #tpu.memory_space<hbm>>, %arg3: memref<25600x128xi32, #tpu.memory_space<hbm>>, %arg4: memref<3276800x32xf32, #tpu.memory_space<hbm>>, %arg5: memref<!tpu.dma_semaphore, #tpu.memory_space<semaphore_mem>>) attributes {dimension_semantics = [#tpu.dimension_semantics<core_parallel>, #tpu.dimension_semantics<subcore_parallel>], iteration_bounds = array<i64: 2, 16>, scalar_prefetch = 0 : i64, scratch_operands = 1 : i64, tpu.core_type = #tpu.core_type<sc_vector_subcore>, window_params = [{transform_indices = #map}, {transform_indices = #map}, {transform_indices = #map}]} {
    %mul3A = arith.constant 1 : i32
    %mul3A_0 = arith.muli %arg1, %mul3A : i32
    %add3A = arith.constant 0 : i32
    %add3A_1 = arith.addi %add3A, %mul3A_0 : i32
    %mul3A_2 = arith.constant 16 : i32
    %mul3A_3 = arith.muli %arg0, %mul3A_2 : i32
    %add3A_4 = arith.addi %add3A_1, %mul3A_3 : i32
    %mul3A_5 = arith.constant 100 : i32
    %mul3A_6 = arith.muli %add3A_4, %mul3A_5 : i32
    "tpu.region"() ({
      %run_scoped3A = memref.alloca() : memref<2x8x128xi32, #tpu.memory_space<vmem>>
      %run_scoped3A_7 = tpu.sem_alloc : memref<2x!tpu.dma_semaphore, #tpu.memory_space<semaphore_mem>>
      %run_scoped3A_8 = memref.alloca() : memref<2x1024x32xf32, #tpu.memory_space<vmem>>
      %run_scoped3A_9 = tpu.sem_alloc : memref<2x!tpu.dma_semaphore, #tpu.memory_space<semaphore_mem>>
      %add3A_10 = arith.constant 0 : i32
      %add3A_11 = arith.addi %add3A_10, %mul3A_6 : i32
      %select_n3A = arith.constant true
      %select_n3A_12 = arith.constant 0 : i32
      %select_n3A_13 = arith.constant -1 : i32
      %select_n3A_14 = arith.select %select_n3A, %select_n3A_13, %select_n3A_12 : i32
      %eq3A = arith.constant -1 : i32
      %eq3A_15 = arith.cmpi eq, %select_n3A_14, %eq3A : i32
      %select_n3A_16 = arith.constant 99 : i32
      %select_n3A_17 = arith.select %eq3A_15, %select_n3A_16, %select_n3A_14 : i32
      %add3A_18 = arith.addi %select_n3A_17, %mul3A_6 : i32
      %select_n3A_19 = arith.constant true
      %select_n3A_20 = arith.constant 0 : i32
      %select_n3A_21 = arith.constant 1 : i32
      %select_n3A_22 = arith.select %select_n3A_19, %select_n3A_21, %select_n3A_20 : i32
      %eq3A_23 = arith.constant 100 : i32
      %eq3A_24 = arith.cmpi eq, %select_n3A_22, %eq3A_23 : i32
      %select_n3A_25 = arith.constant 0 : i32
      %select_n3A_26 = arith.select %eq3A_24, %select_n3A_25, %select_n3A_22 : i32
      %add3A_27 = arith.addi %select_n3A_26, %mul3A_6 : i32
      %add3A_28 = arith.constant 1 : i32
      %add3A_29 = arith.addi %select_n3A_26, %add3A_28 : i32
      %select_n3A_30 = arith.constant true
      %select_n3A_31 = arith.select %select_n3A_30, %add3A_29, %select_n3A_26 : i32
      %eq3A_32 = arith.constant 100 : i32
      %eq3A_33 = arith.cmpi eq, %select_n3A_31, %eq3A_32 : i32
      %select_n3A_34 = arith.constant 0 : i32
      %select_n3A_35 = arith.select %eq3A_33, %select_n3A_34, %select_n3A_31 : i32
      %add3A_36 = arith.addi %select_n3A_35, %mul3A_6 : i32
      "tpu.trace_start"() <{level = 10 : i32, message = "ep_initialize_0"}> : () -> ()
      %rem3A = arith.constant 0 : i32
      %rem3A_37 = arith.constant 2 : i32
      %rem3A_38 = arith.remui %rem3A, %rem3A_37 : i32
      %mul3A_39 = arith.constant 8 : i32
      %mul3A_40 = arith.muli %mul3A_39, %add3A_11 : i32
      %dma_start3A = arith.constant 0 : i32
      %dma_start3A_41 = arith.constant 0 : i32
      %dma_start3A_42 = tpu.memref_slice %run_scoped3A[%rem3A_38, %dma_start3A, %dma_start3A_41] : memref<2x8x128xi32, #tpu.memory_space<vmem>> -> memref<1x8x128xi32, #tpu.memory_space<vmem>>
      %dma_start3A_43 = tpu.memref_squeeze %dma_start3A_42 : memref<1x8x128xi32, #tpu.memory_space<vmem>> -> memref<8x128xi32, #tpu.memory_space<vmem>>
      %dma_start3A_44 = arith.constant 0 : i32
      %dma_start3A_45 = tpu.memref_slice %arg3[%mul3A_40, %dma_start3A_44] : memref<25600x128xi32, #tpu.memory_space<hbm>> -> memref<8x128xi32, #tpu.memory_space<hbm>>
      %dma_start3A_46 = tpu.memref_slice %run_scoped3A_7[%rem3A_38] : memref<2x!tpu.dma_semaphore, #tpu.memory_space<semaphore_mem>> -> memref<1x!tpu.dma_semaphore, #tpu.memory_space<semaphore_mem>>
      %dma_start3A_47 = tpu.memref_squeeze %dma_start3A_46 : memref<1x!tpu.dma_semaphore, #tpu.memory_space<semaphore_mem>> -> memref<!tpu.dma_semaphore, #tpu.memory_space<semaphore_mem>>
      %dma_start3A_48 = arith.constant 0 : i32
      %dma_start3A_49 = arith.constant 0 : i32
      %dma_start3A_50 = tpu.memref_slice %run_scoped3A[%rem3A_38, %dma_start3A_48, %dma_start3A_49] : memref<2x8x128xi32, #tpu.memory_space<vmem>> -> memref<1x8x128xi32, #tpu.memory_space<vmem>>
      %dma_start3A_51 = tpu.memref_squeeze %dma_start3A_50 : memref<1x8x128xi32, #tpu.memory_space<vmem>> -> memref<8x128xi32, #tpu.memory_space<vmem>>
      %dma_start3A_52 = arith.constant 0 : i32
      %dma_start3A_53 = tpu.memref_slice %arg3[%mul3A_40, %dma_start3A_52] : memref<25600x128xi32, #tpu.memory_space<hbm>> -> memref<8x128xi32, #tpu.memory_space<hbm>>
      tpu.enqueue_dma source(%dma_start3A_53 : memref<8x128xi32, #tpu.memory_space<hbm>>) target(%dma_start3A_51 : memref<8x128xi32, #tpu.memory_space<vmem>>) target_semaphore(%dma_start3A_47 : memref<!tpu.dma_semaphore, #tpu.memory_space<semaphore_mem>>)
      %add3A_54 = arith.constant 0 : i32
      %add3A_55 = arith.constant 1 : i32
      %add3A_56 = arith.addi %add3A_54, %add3A_55 : i32
      %select_n3A_57 = arith.constant true
      %select_n3A_58 = arith.constant 0 : i32
      %select_n3A_59 = arith.select %select_n3A_57, %add3A_56, %select_n3A_58 : i32
      "tpu.trace_stop"() : () -> ()
      %scan3A = arith.constant 0 : i32
      %scan3A_60 = arith.constant 0 : i32
      %scan3A_61 = arith.constant 0 : i32
      %scan3A_62 = arith.constant 0 : i32
      %scan3A_63 = arith.constant 0 : i32
      %scan3A_64 = arith.constant 100 : i32
      %scan3A_65 = arith.addi %scan3A_63, %scan3A_64 : i32
      %scan3A_66 = arith.constant 1 : i32
      %scan3A_67:5 = scf.for %scan3A_121 = %scan3A_63 to %scan3A_65 step %scan3A_66 iter_args(%scan3A_122 = %select_n3A_59, %scan3A_123 = %scan3A, %scan3A_124 = %scan3A_60, %scan3A_125 = %scan3A_61, %scan3A_126 = %scan3A_62) -> (i32, i32, i32, i32, i32)  : i32 {
        %eq3A_127 = arith.constant 0 : i32
        %eq3A_128 = arith.cmpi eq, %scan3A_121, %eq3A_127 : i32
        %eq3A_129 = arith.constant 99 : i32
        %eq3A_130 = arith.cmpi eq, %scan3A_121, %eq3A_129 : i32
        %add3A_131 = arith.addi %scan3A_126, %mul3A_6 : i32
        %sub3A_132 = arith.constant 1 : i32
        %sub3A_133 = arith.subi %scan3A_126, %sub3A_132 : i32
        %select_n3A_134 = arith.constant true
        %select_n3A_135 = arith.select %select_n3A_134, %sub3A_133, %scan3A_126 : i32
        %eq3A_136 = arith.constant -1 : i32
        %eq3A_137 = arith.cmpi eq, %select_n3A_135, %eq3A_136 : i32
        %select_n3A_138 = arith.constant 99 : i32
        %select_n3A_139 = arith.select %eq3A_137, %select_n3A_138, %select_n3A_135 : i32
        %add3A_140 = arith.addi %select_n3A_139, %mul3A_6 : i32
        %add3A_141 = arith.constant 1 : i32
        %add3A_142 = arith.addi %scan3A_126, %add3A_141 : i32
        %select_n3A_143 = arith.constant true
        %select_n3A_144 = arith.select %select_n3A_143, %add3A_142, %scan3A_126 : i32
        %eq3A_145 = arith.constant 100 : i32
        %eq3A_146 = arith.cmpi eq, %select_n3A_144, %eq3A_145 : i32
        %select_n3A_147 = arith.constant 0 : i32
        %select_n3A_148 = arith.select %eq3A_146, %select_n3A_147, %select_n3A_144 : i32
        %add3A_149 = arith.addi %select_n3A_148, %mul3A_6 : i32
        %add3A_150 = arith.constant 1 : i32
        %add3A_151 = arith.addi %select_n3A_148, %add3A_150 : i32
        %select_n3A_152 = arith.constant true
        %select_n3A_153 = arith.select %select_n3A_152, %add3A_151, %select_n3A_148 : i32
        %eq3A_154 = arith.constant 100 : i32
        %eq3A_155 = arith.cmpi eq, %select_n3A_153, %eq3A_154 : i32
        %select_n3A_156 = arith.constant 0 : i32
        %select_n3A_157 = arith.select %eq3A_155, %select_n3A_156, %select_n3A_153 : i32
        %add3A_158 = arith.addi %select_n3A_157, %mul3A_6 : i32
        %ne3A = arith.cmpi ne, %add3A_131, %add3A_149 : i32
        %or3A = arith.constant false
        %or3A_159 = arith.ori %or3A, %ne3A : i1
        %or3A_160 = arith.constant false
        %or3A_161 = arith.ori %or3A_159, %or3A_160 : i1
        %ge3A = arith.constant 99 : i32
        %ge3A_162 = arith.cmpi sge, %scan3A_121, %ge3A : i32
        %not3A = arith.constant true
        %not3A_163 = arith.xori %ge3A_162, %not3A : i1
        %and3A = arith.andi %or3A_161, %not3A_163 : i1
        %convert_element_type3A = arith.extui %and3A : i1 to i32
        %cond3A = arith.constant 0 : i32
        %cond3A_164 = arith.cmpi ne, %convert_element_type3A, %cond3A : i32
        scf.if %cond3A_164 {
          "tpu.trace_start"() <{level = 10 : i32, message = "ep_copy_in"}> : () -> ()
          %rem3A_561 = arith.constant 2 : i32
          %rem3A_562 = arith.remui %scan3A_122, %rem3A_561 : i32
          %mul3A_563 = arith.constant 8 : i32
          %mul3A_564 = arith.muli %mul3A_563, %add3A_149 : i32
          %dma_start3A_565 = arith.constant 0 : i32
          %dma_start3A_566 = arith.constant 0 : i32
          %dma_start3A_567 = tpu.memref_slice %run_scoped3A[%rem3A_562, %dma_start3A_565, %dma_start3A_566] : memref<2x8x128xi32, #tpu.memory_space<vmem>> -> memref<1x8x128xi32, #tpu.memory_space<vmem>>
          %dma_start3A_568 = tpu.memref_squeeze %dma_start3A_567 : memref<1x8x128xi32, #tpu.memory_space<vmem>> -> memref<8x128xi32, #tpu.memory_space<vmem>>
          %dma_start3A_569 = arith.constant 0 : i32
          %dma_start3A_570 = tpu.memref_slice %arg3[%mul3A_564, %dma_start3A_569] : memref<25600x128xi32, #tpu.memory_space<hbm>> -> memref<8x128xi32, #tpu.memory_space<hbm>>
          %dma_start3A_571 = tpu.memref_slice %run_scoped3A_7[%rem3A_562] : memref<2x!tpu.dma_semaphore, #tpu.memory_space<semaphore_mem>> -> memref<1x!tpu.dma_semaphore, #tpu.memory_space<semaphore_mem>>
          %dma_start3A_572 = tpu.memref_squeeze %dma_start3A_571 : memref<1x!tpu.dma_semaphore, #tpu.memory_space<semaphore_mem>> -> memref<!tpu.dma_semaphore, #tpu.memory_space<semaphore_mem>>
          %dma_start3A_573 = arith.constant 0 : i32
          %dma_start3A_574 = arith.constant 0 : i32
          %dma_start3A_575 = tpu.memref_slice %run_scoped3A[%rem3A_562, %dma_start3A_573, %dma_start3A_574] : memref<2x8x128xi32, #tpu.memory_space<vmem>> -> memref<1x8x128xi32, #tpu.memory_space<vmem>>
          %dma_start3A_576 = tpu.memref_squeeze %dma_start3A_575 : memref<1x8x128xi32, #tpu.memory_space<vmem>> -> memref<8x128xi32, #tpu.memory_space<vmem>>
          %dma_start3A_577 = arith.constant 0 : i32
          %dma_start3A_578 = tpu.memref_slice %arg3[%mul3A_564, %dma_start3A_577] : memref<25600x128xi32, #tpu.memory_space<hbm>> -> memref<8x128xi32, #tpu.memory_space<hbm>>
          tpu.enqueue_dma source(%dma_start3A_578 : memref<8x128xi32, #tpu.memory_space<hbm>>) target(%dma_start3A_576 : memref<8x128xi32, #tpu.memory_space<vmem>>) target_semaphore(%dma_start3A_572 : memref<!tpu.dma_semaphore, #tpu.memory_space<semaphore_mem>>)
          "tpu.trace_stop"() : () -> ()
        } else {
        }
        %and3A_165 = arith.constant true
        %and3A_166 = arith.andi %and3A, %and3A_165 : i1
        %add3A_167 = arith.constant 1 : i32
        %add3A_168 = arith.addi %scan3A_122, %add3A_167 : i32
        %select_n3A_169 = arith.select %and3A_166, %add3A_168, %scan3A_122 : i32
        %ne3A_170 = arith.cmpi ne, %add3A_131, %add3A_149 : i32
        %or3A_171 = arith.constant false
        %or3A_172 = arith.ori %or3A_171, %ne3A_170 : i1
        %or3A_173 = arith.constant false
        %or3A_174 = arith.ori %or3A_172, %or3A_173 : i1
        %ge3A_175 = arith.constant 99 : i32
        %ge3A_176 = arith.cmpi sge, %scan3A_121, %ge3A_175 : i32
        %not3A_177 = arith.constant true
        %not3A_178 = arith.xori %ge3A_176, %not3A_177 : i1
        %and3A_179 = arith.andi %or3A_174, %not3A_178 : i1
        %ne3A_180 = arith.cmpi ne, %add3A_131, %add3A_140 : i32
        %or3A_181 = arith.constant false
        %or3A_182 = arith.ori %or3A_181, %ne3A_180 : i1
        %or3A_183 = arith.constant false
        %or3A_184 = arith.ori %or3A_182, %or3A_183 : i1
        %or3A_185 = arith.ori %or3A_184, %eq3A_128 : i1
        %convert_element_type3A_186 = arith.extui %or3A_185 : i1 to i32
        %cond3A_187 = arith.constant 0 : i32
        %cond3A_188 = arith.cmpi ne, %convert_element_type3A_186, %cond3A_187 : i32
        scf.if %cond3A_188 {
          "tpu.trace_start"() <{level = 10 : i32, message = "ep_wait_in"}> : () -> ()
          %mul3A_561 = arith.constant 8 : i32
          %mul3A_562 = arith.muli %mul3A_561, %add3A_131 : i32
          %rem3A_563 = arith.constant 2 : i32
          %rem3A_564 = arith.remui %scan3A_123, %rem3A_563 : i32
          %dma_wait3A_565 = arith.constant 0 : i32
          %dma_wait3A_566 = arith.constant 0 : i32
          %dma_wait3A_567 = tpu.memref_slice %run_scoped3A[%rem3A_564, %dma_wait3A_565, %dma_wait3A_566] : memref<2x8x128xi32, #tpu.memory_space<vmem>> -> memref<1x8x128xi32, #tpu.memory_space<vmem>>
          %dma_wait3A_568 = tpu.memref_squeeze %dma_wait3A_567 : memref<1x8x128xi32, #tpu.memory_space<vmem>> -> memref<8x128xi32, #tpu.memory_space<vmem>>
          %dma_wait3A_569 = arith.constant 0 : i32
          %dma_wait3A_570 = tpu.memref_slice %arg3[%mul3A_562, %dma_wait3A_569] : memref<25600x128xi32, #tpu.memory_space<hbm>> -> memref<8x128xi32, #tpu.memory_space<hbm>>
          %dma_wait3A_571 = tpu.memref_slice %run_scoped3A_7[%rem3A_564] : memref<2x!tpu.dma_semaphore, #tpu.memory_space<semaphore_mem>> -> memref<1x!tpu.dma_semaphore, #tpu.memory_space<semaphore_mem>>
          %dma_wait3A_572 = tpu.memref_squeeze %dma_wait3A_571 : memref<1x!tpu.dma_semaphore, #tpu.memory_space<semaphore_mem>> -> memref<!tpu.dma_semaphore, #tpu.memory_space<semaphore_mem>>
          %dma_wait3A_573 = arith.constant 0 : i32
          %dma_wait3A_574 = arith.constant 0 : i32
          %dma_wait3A_575 = tpu.memref_slice %run_scoped3A[%rem3A_564, %dma_wait3A_573, %dma_wait3A_574] : memref<2x8x128xi32, #tpu.memory_space<vmem>> -> memref<1x8x128xi32, #tpu.memory_space<vmem>>
          %dma_wait3A_576 = tpu.memref_squeeze %dma_wait3A_575 : memref<1x8x128xi32, #tpu.memory_space<vmem>> -> memref<8x128xi32, #tpu.memory_space<vmem>>
          %dma_wait3A_577 = arith.constant 0 : i32
          %dma_wait3A_578 = tpu.memref_slice %arg3[%mul3A_562, %dma_wait3A_577] : memref<25600x128xi32, #tpu.memory_space<hbm>> -> memref<8x128xi32, #tpu.memory_space<hbm>>
          tpu.wait_dma2 semaphore(%dma_wait3A_572 : memref<!tpu.dma_semaphore, #tpu.memory_space<semaphore_mem>>) src(%dma_wait3A_578 : memref<8x128xi32, #tpu.memory_space<hbm>>) dst(%dma_wait3A_576 : memref<8x128xi32, #tpu.memory_space<vmem>>)
          "tpu.trace_stop"() : () -> ()
        } else {
        }
        %ne3A_189 = arith.cmpi ne, %add3A_131, %add3A_140 : i32
        %or3A_190 = arith.constant false
        %or3A_191 = arith.ori %or3A_190, %ne3A_189 : i1
        %or3A_192 = arith.constant false
        %or3A_193 = arith.ori %or3A_191, %or3A_192 : i1
        %or3A_194 = arith.ori %or3A_193, %eq3A_128 : i1
        %convert_element_type3A_195 = arith.extui %or3A_194 : i1 to i32
        %cond3A_196 = arith.constant 0 : i32
        %cond3A_197 = arith.cmpi ne, %convert_element_type3A_195, %cond3A_196 : i32
        scf.if %cond3A_197 {
        } else {
        }
        %rem3A_198 = arith.constant 2 : i32
        %rem3A_199 = arith.remui %scan3A_123, %rem3A_198 : i32
        %rem3A_200 = arith.constant 2 : i32
        %rem3A_201 = arith.remui %scan3A_124, %rem3A_200 : i32
        %dma_start3A_202 = arith.constant 0 : i32
        "tpu.trace_start"() <{level = 10 : i32, message = "ep_run_kernel"}> : () -> ()
        %dma_start3A_203 = arith.constant 0 : i32
        %dma_start3A_204 = arith.constant 0 : i32
        %dma_start3A_205 = tpu.memref_slice %run_scoped3A_8[%rem3A_201, %dma_start3A_203, %dma_start3A_204] : memref<2x1024x32xf32, #tpu.memory_space<vmem>> -> memref<1x1024x32xf32, #tpu.memory_space<vmem>>
        %dma_start3A_206 = tpu.memref_squeeze %dma_start3A_205 : memref<1x1024x32xf32, #tpu.memory_space<vmem>> -> memref<1024x32xf32, #tpu.memory_space<vmem>>
        %dma_start3A_207 = arith.constant 0 : i32
        %dma_start3A_208 = arith.constant 0 : i32
        %dma_start3A_209 = tpu.memref_slice %dma_start3A_206[%dma_start3A_207, %dma_start3A_208] : memref<1024x32xf32, #tpu.memory_space<vmem>> -> memref<128x32xf32, #tpu.memory_space<vmem>>
        %dma_start3A_210 = arith.constant 0 : i32
        %dma_start3A_211 = arith.constant 0 : i32
        %dma_start3A_212 = tpu.memref_slice %run_scoped3A[%rem3A_199, %dma_start3A_210, %dma_start3A_211] : memref<2x8x128xi32, #tpu.memory_space<vmem>> -> memref<1x8x128xi32, #tpu.memory_space<vmem>>
        %dma_start3A_213 = tpu.memref_squeeze %dma_start3A_212 : memref<1x8x128xi32, #tpu.memory_space<vmem>> -> memref<8x128xi32, #tpu.memory_space<vmem>>
        %dma_start3A_214 = arith.constant 0 : i32
        %dma_start3A_215 = tpu.memref_slice %dma_start3A_213[%dma_start3A_202, %dma_start3A_214] : memref<8x128xi32, #tpu.memory_space<vmem>> -> memref<1x128xi32, #tpu.memory_space<vmem>>
        %dma_start3A_216 = tpu.memref_squeeze %dma_start3A_215 : memref<1x128xi32, #tpu.memory_space<vmem>> -> memref<128xi32, #tpu.memory_space<vmem>>
        %dma_start3A_217 = arith.constant 0 : i32
        %dma_start3A_218 = arith.constant 0 : i32
        %dma_start3A_219 = tpu.memref_slice %arg2[%dma_start3A_217, %dma_start3A_218] : memref<1000000x32xf32, #tpu.memory_space<hbm>> -> memref<1000000x32xf32, #tpu.memory_space<hbm>>
        tpu.enqueue_indirect_dma source(%dma_start3A_219 : memref<1000000x32xf32, #tpu.memory_space<hbm>>) target(%dma_start3A_209 : memref<128x32xf32, #tpu.memory_space<vmem>>) offsets(%dma_start3A_216 : memref<128xi32, #tpu.memory_space<vmem>>) semaphore(%arg5 : memref<!tpu.dma_semaphore, #tpu.memory_space<semaphore_mem>>)
        %dma_start3A_220 = arith.constant 1 : i32
        %dma_start3A_221 = arith.constant 0 : i32
        %dma_start3A_222 = arith.constant 0 : i32
        %dma_start3A_223 = tpu.memref_slice %run_scoped3A_8[%rem3A_201, %dma_start3A_221, %dma_start3A_222] : memref<2x1024x32xf32, #tpu.memory_space<vmem>> -> memref<1x1024x32xf32, #tpu.memory_space<vmem>>
        %dma_start3A_224 = tpu.memref_squeeze %dma_start3A_223 : memref<1x1024x32xf32, #tpu.memory_space<vmem>> -> memref<1024x32xf32, #tpu.memory_space<vmem>>
        %dma_start3A_225 = arith.constant 128 : i32
        %dma_start3A_226 = arith.constant 0 : i32
        %dma_start3A_227 = tpu.memref_slice %dma_start3A_224[%dma_start3A_225, %dma_start3A_226] : memref<1024x32xf32, #tpu.memory_space<vmem>> -> memref<128x32xf32, #tpu.memory_space<vmem>>
        %dma_start3A_228 = arith.constant 0 : i32
        %dma_start3A_229 = arith.constant 0 : i32
        %dma_start3A_230 = tpu.memref_slice %run_scoped3A[%rem3A_199, %dma_start3A_228, %dma_start3A_229] : memref<2x8x128xi32, #tpu.memory_space<vmem>> -> memref<1x8x128xi32, #tpu.memory_space<vmem>>
        %dma_start3A_231 = tpu.memref_squeeze %dma_start3A_230 : memref<1x8x128xi32, #tpu.memory_space<vmem>> -> memref<8x128xi32, #tpu.memory_space<vmem>>
        %dma_start3A_232 = arith.constant 0 : i32
        %dma_start3A_233 = tpu.memref_slice %dma_start3A_231[%dma_start3A_220, %dma_start3A_232] : memref<8x128xi32, #tpu.memory_space<vmem>> -> memref<1x128xi32, #tpu.memory_space<vmem>>
        %dma_start3A_234 = tpu.memref_squeeze %dma_start3A_233 : memref<1x128xi32, #tpu.memory_space<vmem>> -> memref<128xi32, #tpu.memory_space<vmem>>
        %dma_start3A_235 = arith.constant 0 : i32
        %dma_start3A_236 = arith.constant 0 : i32
        %dma_start3A_237 = tpu.memref_slice %arg2[%dma_start3A_235, %dma_start3A_236] : memref<1000000x32xf32, #tpu.memory_space<hbm>> -> memref<1000000x32xf32, #tpu.memory_space<hbm>>
        tpu.enqueue_indirect_dma source(%dma_start3A_237 : memref<1000000x32xf32, #tpu.memory_space<hbm>>) target(%dma_start3A_227 : memref<128x32xf32, #tpu.memory_space<vmem>>) offsets(%dma_start3A_234 : memref<128xi32, #tpu.memory_space<vmem>>) semaphore(%arg5 : memref<!tpu.dma_semaphore, #tpu.memory_space<semaphore_mem>>)
        %dma_start3A_238 = arith.constant 2 : i32
        %dma_start3A_239 = arith.constant 0 : i32
        %dma_start3A_240 = arith.constant 0 : i32
        %dma_start3A_241 = tpu.memref_slice %run_scoped3A_8[%rem3A_201, %dma_start3A_239, %dma_start3A_240] : memref<2x1024x32xf32, #tpu.memory_space<vmem>> -> memref<1x1024x32xf32, #tpu.memory_space<vmem>>
        %dma_start3A_242 = tpu.memref_squeeze %dma_start3A_241 : memref<1x1024x32xf32, #tpu.memory_space<vmem>> -> memref<1024x32xf32, #tpu.memory_space<vmem>>
        %dma_start3A_243 = arith.constant 256 : i32
        %dma_start3A_244 = arith.constant 0 : i32
        %dma_start3A_245 = tpu.memref_slice %dma_start3A_242[%dma_start3A_243, %dma_start3A_244] : memref<1024x32xf32, #tpu.memory_space<vmem>> -> memref<128x32xf32, #tpu.memory_space<vmem>>
        %dma_start3A_246 = arith.constant 0 : i32
        %dma_start3A_247 = arith.constant 0 : i32
        %dma_start3A_248 = tpu.memref_slice %run_scoped3A[%rem3A_199, %dma_start3A_246, %dma_start3A_247] : memref<2x8x128xi32, #tpu.memory_space<vmem>> -> memref<1x8x128xi32, #tpu.memory_space<vmem>>
        %dma_start3A_249 = tpu.memref_squeeze %dma_start3A_248 : memref<1x8x128xi32, #tpu.memory_space<vmem>> -> memref<8x128xi32, #tpu.memory_space<vmem>>
        %dma_start3A_250 = arith.constant 0 : i32
        %dma_start3A_251 = tpu.memref_slice %dma_start3A_249[%dma_start3A_238, %dma_start3A_250] : memref<8x128xi32, #tpu.memory_space<vmem>> -> memref<1x128xi32, #tpu.memory_space<vmem>>
        %dma_start3A_252 = tpu.memref_squeeze %dma_start3A_251 : memref<1x128xi32, #tpu.memory_space<vmem>> -> memref<128xi32, #tpu.memory_space<vmem>>
        %dma_start3A_253 = arith.constant 0 : i32
        %dma_start3A_254 = arith.constant 0 : i32
        %dma_start3A_255 = tpu.memref_slice %arg2[%dma_start3A_253, %dma_start3A_254] : memref<1000000x32xf32, #tpu.memory_space<hbm>> -> memref<1000000x32xf32, #tpu.memory_space<hbm>>
        tpu.enqueue_indirect_dma source(%dma_start3A_255 : memref<1000000x32xf32, #tpu.memory_space<hbm>>) target(%dma_start3A_245 : memref<128x32xf32, #tpu.memory_space<vmem>>) offsets(%dma_start3A_252 : memref<128xi32, #tpu.memory_space<vmem>>) semaphore(%arg5 : memref<!tpu.dma_semaphore, #tpu.memory_space<semaphore_mem>>)
        %dma_start3A_256 = arith.constant 3 : i32
        %dma_start3A_257 = arith.constant 0 : i32
        %dma_start3A_258 = arith.constant 0 : i32
        %dma_start3A_259 = tpu.memref_slice %run_scoped3A_8[%rem3A_201, %dma_start3A_257, %dma_start3A_258] : memref<2x1024x32xf32, #tpu.memory_space<vmem>> -> memref<1x1024x32xf32, #tpu.memory_space<vmem>>
        %dma_start3A_260 = tpu.memref_squeeze %dma_start3A_259 : memref<1x1024x32xf32, #tpu.memory_space<vmem>> -> memref<1024x32xf32, #tpu.memory_space<vmem>>
        %dma_start3A_261 = arith.constant 384 : i32
        %dma_start3A_262 = arith.constant 0 : i32
        %dma_start3A_263 = tpu.memref_slice %dma_start3A_260[%dma_start3A_261, %dma_start3A_262] : memref<1024x32xf32, #tpu.memory_space<vmem>> -> memref<128x32xf32, #tpu.memory_space<vmem>>
        %dma_start3A_264 = arith.constant 0 : i32
        %dma_start3A_265 = arith.constant 0 : i32
        %dma_start3A_266 = tpu.memref_slice %run_scoped3A[%rem3A_199, %dma_start3A_264, %dma_start3A_265] : memref<2x8x128xi32, #tpu.memory_space<vmem>> -> memref<1x8x128xi32, #tpu.memory_space<vmem>>
        %dma_start3A_267 = tpu.memref_squeeze %dma_start3A_266 : memref<1x8x128xi32, #tpu.memory_space<vmem>> -> memref<8x128xi32, #tpu.memory_space<vmem>>
        %dma_start3A_268 = arith.constant 0 : i32
        %dma_start3A_269 = tpu.memref_slice %dma_start3A_267[%dma_start3A_256, %dma_start3A_268] : memref<8x128xi32, #tpu.memory_space<vmem>> -> memref<1x128xi32, #tpu.memory_space<vmem>>
        %dma_start3A_270 = tpu.memref_squeeze %dma_start3A_269 : memref<1x128xi32, #tpu.memory_space<vmem>> -> memref<128xi32, #tpu.memory_space<vmem>>
        %dma_start3A_271 = arith.constant 0 : i32
        %dma_start3A_272 = arith.constant 0 : i32
        %dma_start3A_273 = tpu.memref_slice %arg2[%dma_start3A_271, %dma_start3A_272] : memref<1000000x32xf32, #tpu.memory_space<hbm>> -> memref<1000000x32xf32, #tpu.memory_space<hbm>>
        tpu.enqueue_indirect_dma source(%dma_start3A_273 : memref<1000000x32xf32, #tpu.memory_space<hbm>>) target(%dma_start3A_263 : memref<128x32xf32, #tpu.memory_space<vmem>>) offsets(%dma_start3A_270 : memref<128xi32, #tpu.memory_space<vmem>>) semaphore(%arg5 : memref<!tpu.dma_semaphore, #tpu.memory_space<semaphore_mem>>)
        %dma_start3A_274 = arith.constant 4 : i32
        %dma_start3A_275 = arith.constant 0 : i32
        %dma_start3A_276 = arith.constant 0 : i32
        %dma_start3A_277 = tpu.memref_slice %run_scoped3A_8[%rem3A_201, %dma_start3A_275, %dma_start3A_276] : memref<2x1024x32xf32, #tpu.memory_space<vmem>> -> memref<1x1024x32xf32, #tpu.memory_space<vmem>>
        %dma_start3A_278 = tpu.memref_squeeze %dma_start3A_277 : memref<1x1024x32xf32, #tpu.memory_space<vmem>> -> memref<1024x32xf32, #tpu.memory_space<vmem>>
        %dma_start3A_279 = arith.constant 512 : i32
        %dma_start3A_280 = arith.constant 0 : i32
        %dma_start3A_281 = tpu.memref_slice %dma_start3A_278[%dma_start3A_279, %dma_start3A_280] : memref<1024x32xf32, #tpu.memory_space<vmem>> -> memref<128x32xf32, #tpu.memory_space<vmem>>
        %dma_start3A_282 = arith.constant 0 : i32
        %dma_start3A_283 = arith.constant 0 : i32
        %dma_start3A_284 = tpu.memref_slice %run_scoped3A[%rem3A_199, %dma_start3A_282, %dma_start3A_283] : memref<2x8x128xi32, #tpu.memory_space<vmem>> -> memref<1x8x128xi32, #tpu.memory_space<vmem>>
        %dma_start3A_285 = tpu.memref_squeeze %dma_start3A_284 : memref<1x8x128xi32, #tpu.memory_space<vmem>> -> memref<8x128xi32, #tpu.memory_space<vmem>>
        %dma_start3A_286 = arith.constant 0 : i32
        %dma_start3A_287 = tpu.memref_slice %dma_start3A_285[%dma_start3A_274, %dma_start3A_286] : memref<8x128xi32, #tpu.memory_space<vmem>> -> memref<1x128xi32, #tpu.memory_space<vmem>>
        %dma_start3A_288 = tpu.memref_squeeze %dma_start3A_287 : memref<1x128xi32, #tpu.memory_space<vmem>> -> memref<128xi32, #tpu.memory_space<vmem>>
        %dma_start3A_289 = arith.constant 0 : i32
        %dma_start3A_290 = arith.constant 0 : i32
        %dma_start3A_291 = tpu.memref_slice %arg2[%dma_start3A_289, %dma_start3A_290] : memref<1000000x32xf32, #tpu.memory_space<hbm>> -> memref<1000000x32xf32, #tpu.memory_space<hbm>>
        tpu.enqueue_indirect_dma source(%dma_start3A_291 : memref<1000000x32xf32, #tpu.memory_space<hbm>>) target(%dma_start3A_281 : memref<128x32xf32, #tpu.memory_space<vmem>>) offsets(%dma_start3A_288 : memref<128xi32, #tpu.memory_space<vmem>>) semaphore(%arg5 : memref<!tpu.dma_semaphore, #tpu.memory_space<semaphore_mem>>)
        %dma_start3A_292 = arith.constant 5 : i32
        %dma_start3A_293 = arith.constant 0 : i32
        %dma_start3A_294 = arith.constant 0 : i32
        %dma_start3A_295 = tpu.memref_slice %run_scoped3A_8[%rem3A_201, %dma_start3A_293, %dma_start3A_294] : memref<2x1024x32xf32, #tpu.memory_space<vmem>> -> memref<1x1024x32xf32, #tpu.memory_space<vmem>>
        %dma_start3A_296 = tpu.memref_squeeze %dma_start3A_295 : memref<1x1024x32xf32, #tpu.memory_space<vmem>> -> memref<1024x32xf32, #tpu.memory_space<vmem>>
        %dma_start3A_297 = arith.constant 640 : i32
        %dma_start3A_298 = arith.constant 0 : i32
        %dma_start3A_299 = tpu.memref_slice %dma_start3A_296[%dma_start3A_297, %dma_start3A_298] : memref<1024x32xf32, #tpu.memory_space<vmem>> -> memref<128x32xf32, #tpu.memory_space<vmem>>
        %dma_start3A_300 = arith.constant 0 : i32
        %dma_start3A_301 = arith.constant 0 : i32
        %dma_start3A_302 = tpu.memref_slice %run_scoped3A[%rem3A_199, %dma_start3A_300, %dma_start3A_301] : memref<2x8x128xi32, #tpu.memory_space<vmem>> -> memref<1x8x128xi32, #tpu.memory_space<vmem>>
        %dma_start3A_303 = tpu.memref_squeeze %dma_start3A_302 : memref<1x8x128xi32, #tpu.memory_space<vmem>> -> memref<8x128xi32, #tpu.memory_space<vmem>>
        %dma_start3A_304 = arith.constant 0 : i32
        %dma_start3A_305 = tpu.memref_slice %dma_start3A_303[%dma_start3A_292, %dma_start3A_304] : memref<8x128xi32, #tpu.memory_space<vmem>> -> memref<1x128xi32, #tpu.memory_space<vmem>>
        %dma_start3A_306 = tpu.memref_squeeze %dma_start3A_305 : memref<1x128xi32, #tpu.memory_space<vmem>> -> memref<128xi32, #tpu.memory_space<vmem>>
        %dma_start3A_307 = arith.constant 0 : i32
        %dma_start3A_308 = arith.constant 0 : i32
        %dma_start3A_309 = tpu.memref_slice %arg2[%dma_start3A_307, %dma_start3A_308] : memref<1000000x32xf32, #tpu.memory_space<hbm>> -> memref<1000000x32xf32, #tpu.memory_space<hbm>>
        tpu.enqueue_indirect_dma source(%dma_start3A_309 : memref<1000000x32xf32, #tpu.memory_space<hbm>>) target(%dma_start3A_299 : memref<128x32xf32, #tpu.memory_space<vmem>>) offsets(%dma_start3A_306 : memref<128xi32, #tpu.memory_space<vmem>>) semaphore(%arg5 : memref<!tpu.dma_semaphore, #tpu.memory_space<semaphore_mem>>)
        %dma_start3A_310 = arith.constant 6 : i32
        %dma_start3A_311 = arith.constant 0 : i32
        %dma_start3A_312 = arith.constant 0 : i32
        %dma_start3A_313 = tpu.memref_slice %run_scoped3A_8[%rem3A_201, %dma_start3A_311, %dma_start3A_312] : memref<2x1024x32xf32, #tpu.memory_space<vmem>> -> memref<1x1024x32xf32, #tpu.memory_space<vmem>>
        %dma_start3A_314 = tpu.memref_squeeze %dma_start3A_313 : memref<1x1024x32xf32, #tpu.memory_space<vmem>> -> memref<1024x32xf32, #tpu.memory_space<vmem>>
        %dma_start3A_315 = arith.constant 768 : i32
        %dma_start3A_316 = arith.constant 0 : i32
        %dma_start3A_317 = tpu.memref_slice %dma_start3A_314[%dma_start3A_315, %dma_start3A_316] : memref<1024x32xf32, #tpu.memory_space<vmem>> -> memref<128x32xf32, #tpu.memory_space<vmem>>
        %dma_start3A_318 = arith.constant 0 : i32
        %dma_start3A_319 = arith.constant 0 : i32
        %dma_start3A_320 = tpu.memref_slice %run_scoped3A[%rem3A_199, %dma_start3A_318, %dma_start3A_319] : memref<2x8x128xi32, #tpu.memory_space<vmem>> -> memref<1x8x128xi32, #tpu.memory_space<vmem>>
        %dma_start3A_321 = tpu.memref_squeeze %dma_start3A_320 : memref<1x8x128xi32, #tpu.memory_space<vmem>> -> memref<8x128xi32, #tpu.memory_space<vmem>>
        %dma_start3A_322 = arith.constant 0 : i32
        %dma_start3A_323 = tpu.memref_slice %dma_start3A_321[%dma_start3A_310, %dma_start3A_322] : memref<8x128xi32, #tpu.memory_space<vmem>> -> memref<1x128xi32, #tpu.memory_space<vmem>>
        %dma_start3A_324 = tpu.memref_squeeze %dma_start3A_323 : memref<1x128xi32, #tpu.memory_space<vmem>> -> memref<128xi32, #tpu.memory_space<vmem>>
        %dma_start3A_325 = arith.constant 0 : i32
        %dma_start3A_326 = arith.constant 0 : i32
        %dma_start3A_327 = tpu.memref_slice %arg2[%dma_start3A_325, %dma_start3A_326] : memref<1000000x32xf32, #tpu.memory_space<hbm>> -> memref<1000000x32xf32, #tpu.memory_space<hbm>>
        tpu.enqueue_indirect_dma source(%dma_start3A_327 : memref<1000000x32xf32, #tpu.memory_space<hbm>>) target(%dma_start3A_317 : memref<128x32xf32, #tpu.memory_space<vmem>>) offsets(%dma_start3A_324 : memref<128xi32, #tpu.memory_space<vmem>>) semaphore(%arg5 : memref<!tpu.dma_semaphore, #tpu.memory_space<semaphore_mem>>)
        %dma_start3A_328 = arith.constant 7 : i32
        %dma_start3A_329 = arith.constant 0 : i32
        %dma_start3A_330 = arith.constant 0 : i32
        %dma_start3A_331 = tpu.memref_slice %run_scoped3A_8[%rem3A_201, %dma_start3A_329, %dma_start3A_330] : memref<2x1024x32xf32, #tpu.memory_space<vmem>> -> memref<1x1024x32xf32, #tpu.memory_space<vmem>>
        %dma_start3A_332 = tpu.memref_squeeze %dma_start3A_331 : memref<1x1024x32xf32, #tpu.memory_space<vmem>> -> memref<1024x32xf32, #tpu.memory_space<vmem>>
        %dma_start3A_333 = arith.constant 896 : i32
        %dma_start3A_334 = arith.constant 0 : i32
        %dma_start3A_335 = tpu.memref_slice %dma_start3A_332[%dma_start3A_333, %dma_start3A_334] : memref<1024x32xf32, #tpu.memory_space<vmem>> -> memref<128x32xf32, #tpu.memory_space<vmem>>
        %dma_start3A_336 = arith.constant 0 : i32
        %dma_start3A_337 = arith.constant 0 : i32
        %dma_start3A_338 = tpu.memref_slice %run_scoped3A[%rem3A_199, %dma_start3A_336, %dma_start3A_337] : memref<2x8x128xi32, #tpu.memory_space<vmem>> -> memref<1x8x128xi32, #tpu.memory_space<vmem>>
        %dma_start3A_339 = tpu.memref_squeeze %dma_start3A_338 : memref<1x8x128xi32, #tpu.memory_space<vmem>> -> memref<8x128xi32, #tpu.memory_space<vmem>>
        %dma_start3A_340 = arith.constant 0 : i32
        %dma_start3A_341 = tpu.memref_slice %dma_start3A_339[%dma_start3A_328, %dma_start3A_340] : memref<8x128xi32, #tpu.memory_space<vmem>> -> memref<1x128xi32, #tpu.memory_space<vmem>>
        %dma_start3A_342 = tpu.memref_squeeze %dma_start3A_341 : memref<1x128xi32, #tpu.memory_space<vmem>> -> memref<128xi32, #tpu.memory_space<vmem>>
        %dma_start3A_343 = arith.constant 0 : i32
        %dma_start3A_344 = arith.constant 0 : i32
        %dma_start3A_345 = tpu.memref_slice %arg2[%dma_start3A_343, %dma_start3A_344] : memref<1000000x32xf32, #tpu.memory_space<hbm>> -> memref<1000000x32xf32, #tpu.memory_space<hbm>>
        tpu.enqueue_indirect_dma source(%dma_start3A_345 : memref<1000000x32xf32, #tpu.memory_space<hbm>>) target(%dma_start3A_335 : memref<128x32xf32, #tpu.memory_space<vmem>>) offsets(%dma_start3A_342 : memref<128xi32, #tpu.memory_space<vmem>>) semaphore(%arg5 : memref<!tpu.dma_semaphore, #tpu.memory_space<semaphore_mem>>)
        %dma_wait3A_346 = arith.constant 0 : i32
        %dma_wait3A_347 = arith.constant 0 : i32
        %dma_wait3A_348 = arith.constant 0 : i32
        %dma_wait3A_349 = tpu.memref_slice %run_scoped3A_8[%rem3A_201, %dma_wait3A_347, %dma_wait3A_348] : memref<2x1024x32xf32, #tpu.memory_space<vmem>> -> memref<1x1024x32xf32, #tpu.memory_space<vmem>>
        %dma_wait3A_350 = tpu.memref_squeeze %dma_wait3A_349 : memref<1x1024x32xf32, #tpu.memory_space<vmem>> -> memref<1024x32xf32, #tpu.memory_space<vmem>>
        %dma_wait3A_351 = arith.constant 0 : i32
        %dma_wait3A_352 = arith.constant 0 : i32
        %dma_wait3A_353 = tpu.memref_slice %dma_wait3A_350[%dma_wait3A_351, %dma_wait3A_352] : memref<1024x32xf32, #tpu.memory_space<vmem>> -> memref<128x32xf32, #tpu.memory_space<vmem>>
        %dma_wait3A_354 = arith.constant 0 : i32
        %dma_wait3A_355 = arith.constant 0 : i32
        %dma_wait3A_356 = tpu.memref_slice %run_scoped3A[%rem3A_199, %dma_wait3A_354, %dma_wait3A_355] : memref<2x8x128xi32, #tpu.memory_space<vmem>> -> memref<1x8x128xi32, #tpu.memory_space<vmem>>
        %dma_wait3A_357 = tpu.memref_squeeze %dma_wait3A_356 : memref<1x8x128xi32, #tpu.memory_space<vmem>> -> memref<8x128xi32, #tpu.memory_space<vmem>>
        %dma_wait3A_358 = arith.constant 0 : i32
        %dma_wait3A_359 = tpu.memref_slice %dma_wait3A_357[%dma_wait3A_346, %dma_wait3A_358] : memref<8x128xi32, #tpu.memory_space<vmem>> -> memref<1x128xi32, #tpu.memory_space<vmem>>
        %dma_wait3A_360 = tpu.memref_squeeze %dma_wait3A_359 : memref<1x128xi32, #tpu.memory_space<vmem>> -> memref<128xi32, #tpu.memory_space<vmem>>
        %dma_wait3A_361 = arith.constant 0 : i32
        %dma_wait3A_362 = arith.constant 0 : i32
        %dma_wait3A_363 = tpu.memref_slice %arg2[%dma_wait3A_361, %dma_wait3A_362] : memref<1000000x32xf32, #tpu.memory_space<hbm>> -> memref<1000000x32xf32, #tpu.memory_space<hbm>>
        tpu.wait_indirect_dma semaphore(%arg5 : memref<!tpu.dma_semaphore, #tpu.memory_space<semaphore_mem>>) src(%dma_wait3A_363 : memref<1000000x32xf32, #tpu.memory_space<hbm>>) dst(%dma_wait3A_353 : memref<128x32xf32, #tpu.memory_space<vmem>>)
        %dma_wait3A_364 = arith.constant 1 : i32
        %dma_wait3A_365 = arith.constant 0 : i32
        %dma_wait3A_366 = arith.constant 0 : i32
        %dma_wait3A_367 = tpu.memref_slice %run_scoped3A_8[%rem3A_201, %dma_wait3A_365, %dma_wait3A_366] : memref<2x1024x32xf32, #tpu.memory_space<vmem>> -> memref<1x1024x32xf32, #tpu.memory_space<vmem>>
        %dma_wait3A_368 = tpu.memref_squeeze %dma_wait3A_367 : memref<1x1024x32xf32, #tpu.memory_space<vmem>> -> memref<1024x32xf32, #tpu.memory_space<vmem>>
        %dma_wait3A_369 = arith.constant 128 : i32
        %dma_wait3A_370 = arith.constant 0 : i32
        %dma_wait3A_371 = tpu.memref_slice %dma_wait3A_368[%dma_wait3A_369, %dma_wait3A_370] : memref<1024x32xf32, #tpu.memory_space<vmem>> -> memref<128x32xf32, #tpu.memory_space<vmem>>
        %dma_wait3A_372 = arith.constant 0 : i32
        %dma_wait3A_373 = arith.constant 0 : i32
        %dma_wait3A_374 = tpu.memref_slice %run_scoped3A[%rem3A_199, %dma_wait3A_372, %dma_wait3A_373] : memref<2x8x128xi32, #tpu.memory_space<vmem>> -> memref<1x8x128xi32, #tpu.memory_space<vmem>>
        %dma_wait3A_375 = tpu.memref_squeeze %dma_wait3A_374 : memref<1x8x128xi32, #tpu.memory_space<vmem>> -> memref<8x128xi32, #tpu.memory_space<vmem>>
        %dma_wait3A_376 = arith.constant 0 : i32
        %dma_wait3A_377 = tpu.memref_slice %dma_wait3A_375[%dma_wait3A_364, %dma_wait3A_376] : memref<8x128xi32, #tpu.memory_space<vmem>> -> memref<1x128xi32, #tpu.memory_space<vmem>>
        %dma_wait3A_378 = tpu.memref_squeeze %dma_wait3A_377 : memref<1x128xi32, #tpu.memory_space<vmem>> -> memref<128xi32, #tpu.memory_space<vmem>>
        %dma_wait3A_379 = arith.constant 0 : i32
        %dma_wait3A_380 = arith.constant 0 : i32
        %dma_wait3A_381 = tpu.memref_slice %arg2[%dma_wait3A_379, %dma_wait3A_380] : memref<1000000x32xf32, #tpu.memory_space<hbm>> -> memref<1000000x32xf32, #tpu.memory_space<hbm>>
        tpu.wait_indirect_dma semaphore(%arg5 : memref<!tpu.dma_semaphore, #tpu.memory_space<semaphore_mem>>) src(%dma_wait3A_381 : memref<1000000x32xf32, #tpu.memory_space<hbm>>) dst(%dma_wait3A_371 : memref<128x32xf32, #tpu.memory_space<vmem>>)
        %dma_wait3A_382 = arith.constant 2 : i32
        %dma_wait3A_383 = arith.constant 0 : i32
        %dma_wait3A_384 = arith.constant 0 : i32
        %dma_wait3A_385 = tpu.memref_slice %run_scoped3A_8[%rem3A_201, %dma_wait3A_383, %dma_wait3A_384] : memref<2x1024x32xf32, #tpu.memory_space<vmem>> -> memref<1x1024x32xf32, #tpu.memory_space<vmem>>
        %dma_wait3A_386 = tpu.memref_squeeze %dma_wait3A_385 : memref<1x1024x32xf32, #tpu.memory_space<vmem>> -> memref<1024x32xf32, #tpu.memory_space<vmem>>
        %dma_wait3A_387 = arith.constant 256 : i32
        %dma_wait3A_388 = arith.constant 0 : i32
        %dma_wait3A_389 = tpu.memref_slice %dma_wait3A_386[%dma_wait3A_387, %dma_wait3A_388] : memref<1024x32xf32, #tpu.memory_space<vmem>> -> memref<128x32xf32, #tpu.memory_space<vmem>>
        %dma_wait3A_390 = arith.constant 0 : i32
        %dma_wait3A_391 = arith.constant 0 : i32
        %dma_wait3A_392 = tpu.memref_slice %run_scoped3A[%rem3A_199, %dma_wait3A_390, %dma_wait3A_391] : memref<2x8x128xi32, #tpu.memory_space<vmem>> -> memref<1x8x128xi32, #tpu.memory_space<vmem>>
        %dma_wait3A_393 = tpu.memref_squeeze %dma_wait3A_392 : memref<1x8x128xi32, #tpu.memory_space<vmem>> -> memref<8x128xi32, #tpu.memory_space<vmem>>
        %dma_wait3A_394 = arith.constant 0 : i32
        %dma_wait3A_395 = tpu.memref_slice %dma_wait3A_393[%dma_wait3A_382, %dma_wait3A_394] : memref<8x128xi32, #tpu.memory_space<vmem>> -> memref<1x128xi32, #tpu.memory_space<vmem>>
        %dma_wait3A_396 = tpu.memref_squeeze %dma_wait3A_395 : memref<1x128xi32, #tpu.memory_space<vmem>> -> memref<128xi32, #tpu.memory_space<vmem>>
        %dma_wait3A_397 = arith.constant 0 : i32
        %dma_wait3A_398 = arith.constant 0 : i32
        %dma_wait3A_399 = tpu.memref_slice %arg2[%dma_wait3A_397, %dma_wait3A_398] : memref<1000000x32xf32, #tpu.memory_space<hbm>> -> memref<1000000x32xf32, #tpu.memory_space<hbm>>
        tpu.wait_indirect_dma semaphore(%arg5 : memref<!tpu.dma_semaphore, #tpu.memory_space<semaphore_mem>>) src(%dma_wait3A_399 : memref<1000000x32xf32, #tpu.memory_space<hbm>>) dst(%dma_wait3A_389 : memref<128x32xf32, #tpu.memory_space<vmem>>)
        %dma_wait3A_400 = arith.constant 3 : i32
        %dma_wait3A_401 = arith.constant 0 : i32
        %dma_wait3A_402 = arith.constant 0 : i32
        %dma_wait3A_403 = tpu.memref_slice %run_scoped3A_8[%rem3A_201, %dma_wait3A_401, %dma_wait3A_402] : memref<2x1024x32xf32, #tpu.memory_space<vmem>> -> memref<1x1024x32xf32, #tpu.memory_space<vmem>>
        %dma_wait3A_404 = tpu.memref_squeeze %dma_wait3A_403 : memref<1x1024x32xf32, #tpu.memory_space<vmem>> -> memref<1024x32xf32, #tpu.memory_space<vmem>>
        %dma_wait3A_405 = arith.constant 384 : i32
        %dma_wait3A_406 = arith.constant 0 : i32
        %dma_wait3A_407 = tpu.memref_slice %dma_wait3A_404[%dma_wait3A_405, %dma_wait3A_406] : memref<1024x32xf32, #tpu.memory_space<vmem>> -> memref<128x32xf32, #tpu.memory_space<vmem>>
        %dma_wait3A_408 = arith.constant 0 : i32
        %dma_wait3A_409 = arith.constant 0 : i32
        %dma_wait3A_410 = tpu.memref_slice %run_scoped3A[%rem3A_199, %dma_wait3A_408, %dma_wait3A_409] : memref<2x8x128xi32, #tpu.memory_space<vmem>> -> memref<1x8x128xi32, #tpu.memory_space<vmem>>
        %dma_wait3A_411 = tpu.memref_squeeze %dma_wait3A_410 : memref<1x8x128xi32, #tpu.memory_space<vmem>> -> memref<8x128xi32, #tpu.memory_space<vmem>>
        %dma_wait3A_412 = arith.constant 0 : i32
        %dma_wait3A_413 = tpu.memref_slice %dma_wait3A_411[%dma_wait3A_400, %dma_wait3A_412] : memref<8x128xi32, #tpu.memory_space<vmem>> -> memref<1x128xi32, #tpu.memory_space<vmem>>
        %dma_wait3A_414 = tpu.memref_squeeze %dma_wait3A_413 : memref<1x128xi32, #tpu.memory_space<vmem>> -> memref<128xi32, #tpu.memory_space<vmem>>
        %dma_wait3A_415 = arith.constant 0 : i32
        %dma_wait3A_416 = arith.constant 0 : i32
        %dma_wait3A_417 = tpu.memref_slice %arg2[%dma_wait3A_415, %dma_wait3A_416] : memref<1000000x32xf32, #tpu.memory_space<hbm>> -> memref<1000000x32xf32, #tpu.memory_space<hbm>>
        tpu.wait_indirect_dma semaphore(%arg5 : memref<!tpu.dma_semaphore, #tpu.memory_space<semaphore_mem>>) src(%dma_wait3A_417 : memref<1000000x32xf32, #tpu.memory_space<hbm>>) dst(%dma_wait3A_407 : memref<128x32xf32, #tpu.memory_space<vmem>>)
        %dma_wait3A_418 = arith.constant 4 : i32
        %dma_wait3A_419 = arith.constant 0 : i32
        %dma_wait3A_420 = arith.constant 0 : i32
        %dma_wait3A_421 = tpu.memref_slice %run_scoped3A_8[%rem3A_201, %dma_wait3A_419, %dma_wait3A_420] : memref<2x1024x32xf32, #tpu.memory_space<vmem>> -> memref<1x1024x32xf32, #tpu.memory_space<vmem>>
        %dma_wait3A_422 = tpu.memref_squeeze %dma_wait3A_421 : memref<1x1024x32xf32, #tpu.memory_space<vmem>> -> memref<1024x32xf32, #tpu.memory_space<vmem>>
        %dma_wait3A_423 = arith.constant 512 : i32
        %dma_wait3A_424 = arith.constant 0 : i32
        %dma_wait3A_425 = tpu.memref_slice %dma_wait3A_422[%dma_wait3A_423, %dma_wait3A_424] : memref<1024x32xf32, #tpu.memory_space<vmem>> -> memref<128x32xf32, #tpu.memory_space<vmem>>
        %dma_wait3A_426 = arith.constant 0 : i32
        %dma_wait3A_427 = arith.constant 0 : i32
        %dma_wait3A_428 = tpu.memref_slice %run_scoped3A[%rem3A_199, %dma_wait3A_426, %dma_wait3A_427] : memref<2x8x128xi32, #tpu.memory_space<vmem>> -> memref<1x8x128xi32, #tpu.memory_space<vmem>>
        %dma_wait3A_429 = tpu.memref_squeeze %dma_wait3A_428 : memref<1x8x128xi32, #tpu.memory_space<vmem>> -> memref<8x128xi32, #tpu.memory_space<vmem>>
        %dma_wait3A_430 = arith.constant 0 : i32
        %dma_wait3A_431 = tpu.memref_slice %dma_wait3A_429[%dma_wait3A_418, %dma_wait3A_430] : memref<8x128xi32, #tpu.memory_space<vmem>> -> memref<1x128xi32, #tpu.memory_space<vmem>>
        %dma_wait3A_432 = tpu.memref_squeeze %dma_wait3A_431 : memref<1x128xi32, #tpu.memory_space<vmem>> -> memref<128xi32, #tpu.memory_space<vmem>>
        %dma_wait3A_433 = arith.constant 0 : i32
        %dma_wait3A_434 = arith.constant 0 : i32
        %dma_wait3A_435 = tpu.memref_slice %arg2[%dma_wait3A_433, %dma_wait3A_434] : memref<1000000x32xf32, #tpu.memory_space<hbm>> -> memref<1000000x32xf32, #tpu.memory_space<hbm>>
        tpu.wait_indirect_dma semaphore(%arg5 : memref<!tpu.dma_semaphore, #tpu.memory_space<semaphore_mem>>) src(%dma_wait3A_435 : memref<1000000x32xf32, #tpu.memory_space<hbm>>) dst(%dma_wait3A_425 : memref<128x32xf32, #tpu.memory_space<vmem>>)
        %dma_wait3A_436 = arith.constant 5 : i32
        %dma_wait3A_437 = arith.constant 0 : i32
        %dma_wait3A_438 = arith.constant 0 : i32
        %dma_wait3A_439 = tpu.memref_slice %run_scoped3A_8[%rem3A_201, %dma_wait3A_437, %dma_wait3A_438] : memref<2x1024x32xf32, #tpu.memory_space<vmem>> -> memref<1x1024x32xf32, #tpu.memory_space<vmem>>
        %dma_wait3A_440 = tpu.memref_squeeze %dma_wait3A_439 : memref<1x1024x32xf32, #tpu.memory_space<vmem>> -> memref<1024x32xf32, #tpu.memory_space<vmem>>
        %dma_wait3A_441 = arith.constant 640 : i32
        %dma_wait3A_442 = arith.constant 0 : i32
        %dma_wait3A_443 = tpu.memref_slice %dma_wait3A_440[%dma_wait3A_441, %dma_wait3A_442] : memref<1024x32xf32, #tpu.memory_space<vmem>> -> memref<128x32xf32, #tpu.memory_space<vmem>>
        %dma_wait3A_444 = arith.constant 0 : i32
        %dma_wait3A_445 = arith.constant 0 : i32
        %dma_wait3A_446 = tpu.memref_slice %run_scoped3A[%rem3A_199, %dma_wait3A_444, %dma_wait3A_445] : memref<2x8x128xi32, #tpu.memory_space<vmem>> -> memref<1x8x128xi32, #tpu.memory_space<vmem>>
        %dma_wait3A_447 = tpu.memref_squeeze %dma_wait3A_446 : memref<1x8x128xi32, #tpu.memory_space<vmem>> -> memref<8x128xi32, #tpu.memory_space<vmem>>
        %dma_wait3A_448 = arith.constant 0 : i32
        %dma_wait3A_449 = tpu.memref_slice %dma_wait3A_447[%dma_wait3A_436, %dma_wait3A_448] : memref<8x128xi32, #tpu.memory_space<vmem>> -> memref<1x128xi32, #tpu.memory_space<vmem>>
        %dma_wait3A_450 = tpu.memref_squeeze %dma_wait3A_449 : memref<1x128xi32, #tpu.memory_space<vmem>> -> memref<128xi32, #tpu.memory_space<vmem>>
        %dma_wait3A_451 = arith.constant 0 : i32
        %dma_wait3A_452 = arith.constant 0 : i32
        %dma_wait3A_453 = tpu.memref_slice %arg2[%dma_wait3A_451, %dma_wait3A_452] : memref<1000000x32xf32, #tpu.memory_space<hbm>> -> memref<1000000x32xf32, #tpu.memory_space<hbm>>
        tpu.wait_indirect_dma semaphore(%arg5 : memref<!tpu.dma_semaphore, #tpu.memory_space<semaphore_mem>>) src(%dma_wait3A_453 : memref<1000000x32xf32, #tpu.memory_space<hbm>>) dst(%dma_wait3A_443 : memref<128x32xf32, #tpu.memory_space<vmem>>)
        %dma_wait3A_454 = arith.constant 6 : i32
        %dma_wait3A_455 = arith.constant 0 : i32
        %dma_wait3A_456 = arith.constant 0 : i32
        %dma_wait3A_457 = tpu.memref_slice %run_scoped3A_8[%rem3A_201, %dma_wait3A_455, %dma_wait3A_456] : memref<2x1024x32xf32, #tpu.memory_space<vmem>> -> memref<1x1024x32xf32, #tpu.memory_space<vmem>>
        %dma_wait3A_458 = tpu.memref_squeeze %dma_wait3A_457 : memref<1x1024x32xf32, #tpu.memory_space<vmem>> -> memref<1024x32xf32, #tpu.memory_space<vmem>>
        %dma_wait3A_459 = arith.constant 768 : i32
        %dma_wait3A_460 = arith.constant 0 : i32
        %dma_wait3A_461 = tpu.memref_slice %dma_wait3A_458[%dma_wait3A_459, %dma_wait3A_460] : memref<1024x32xf32, #tpu.memory_space<vmem>> -> memref<128x32xf32, #tpu.memory_space<vmem>>
        %dma_wait3A_462 = arith.constant 0 : i32
        %dma_wait3A_463 = arith.constant 0 : i32
        %dma_wait3A_464 = tpu.memref_slice %run_scoped3A[%rem3A_199, %dma_wait3A_462, %dma_wait3A_463] : memref<2x8x128xi32, #tpu.memory_space<vmem>> -> memref<1x8x128xi32, #tpu.memory_space<vmem>>
        %dma_wait3A_465 = tpu.memref_squeeze %dma_wait3A_464 : memref<1x8x128xi32, #tpu.memory_space<vmem>> -> memref<8x128xi32, #tpu.memory_space<vmem>>
        %dma_wait3A_466 = arith.constant 0 : i32
        %dma_wait3A_467 = tpu.memref_slice %dma_wait3A_465[%dma_wait3A_454, %dma_wait3A_466] : memref<8x128xi32, #tpu.memory_space<vmem>> -> memref<1x128xi32, #tpu.memory_space<vmem>>
        %dma_wait3A_468 = tpu.memref_squeeze %dma_wait3A_467 : memref<1x128xi32, #tpu.memory_space<vmem>> -> memref<128xi32, #tpu.memory_space<vmem>>
        %dma_wait3A_469 = arith.constant 0 : i32
        %dma_wait3A_470 = arith.constant 0 : i32
        %dma_wait3A_471 = tpu.memref_slice %arg2[%dma_wait3A_469, %dma_wait3A_470] : memref<1000000x32xf32, #tpu.memory_space<hbm>> -> memref<1000000x32xf32, #tpu.memory_space<hbm>>
        tpu.wait_indirect_dma semaphore(%arg5 : memref<!tpu.dma_semaphore, #tpu.memory_space<semaphore_mem>>) src(%dma_wait3A_471 : memref<1000000x32xf32, #tpu.memory_space<hbm>>) dst(%dma_wait3A_461 : memref<128x32xf32, #tpu.memory_space<vmem>>)
        %dma_wait3A_472 = arith.constant 7 : i32
        %dma_wait3A_473 = arith.constant 0 : i32
        %dma_wait3A_474 = arith.constant 0 : i32
        %dma_wait3A_475 = tpu.memref_slice %run_scoped3A_8[%rem3A_201, %dma_wait3A_473, %dma_wait3A_474] : memref<2x1024x32xf32, #tpu.memory_space<vmem>> -> memref<1x1024x32xf32, #tpu.memory_space<vmem>>
        %dma_wait3A_476 = tpu.memref_squeeze %dma_wait3A_475 : memref<1x1024x32xf32, #tpu.memory_space<vmem>> -> memref<1024x32xf32, #tpu.memory_space<vmem>>
        %dma_wait3A_477 = arith.constant 896 : i32
        %dma_wait3A_478 = arith.constant 0 : i32
        %dma_wait3A_479 = tpu.memref_slice %dma_wait3A_476[%dma_wait3A_477, %dma_wait3A_478] : memref<1024x32xf32, #tpu.memory_space<vmem>> -> memref<128x32xf32, #tpu.memory_space<vmem>>
        %dma_wait3A_480 = arith.constant 0 : i32
        %dma_wait3A_481 = arith.constant 0 : i32
        %dma_wait3A_482 = tpu.memref_slice %run_scoped3A[%rem3A_199, %dma_wait3A_480, %dma_wait3A_481] : memref<2x8x128xi32, #tpu.memory_space<vmem>> -> memref<1x8x128xi32, #tpu.memory_space<vmem>>
        %dma_wait3A_483 = tpu.memref_squeeze %dma_wait3A_482 : memref<1x8x128xi32, #tpu.memory_space<vmem>> -> memref<8x128xi32, #tpu.memory_space<vmem>>
        %dma_wait3A_484 = arith.constant 0 : i32
        %dma_wait3A_485 = tpu.memref_slice %dma_wait3A_483[%dma_wait3A_472, %dma_wait3A_484] : memref<8x128xi32, #tpu.memory_space<vmem>> -> memref<1x128xi32, #tpu.memory_space<vmem>>
        %dma_wait3A_486 = tpu.memref_squeeze %dma_wait3A_485 : memref<1x128xi32, #tpu.memory_space<vmem>> -> memref<128xi32, #tpu.memory_space<vmem>>
        %dma_wait3A_487 = arith.constant 0 : i32
        %dma_wait3A_488 = arith.constant 0 : i32
        %dma_wait3A_489 = tpu.memref_slice %arg2[%dma_wait3A_487, %dma_wait3A_488] : memref<1000000x32xf32, #tpu.memory_space<hbm>> -> memref<1000000x32xf32, #tpu.memory_space<hbm>>
        tpu.wait_indirect_dma semaphore(%arg5 : memref<!tpu.dma_semaphore, #tpu.memory_space<semaphore_mem>>) src(%dma_wait3A_489 : memref<1000000x32xf32, #tpu.memory_space<hbm>>) dst(%dma_wait3A_479 : memref<128x32xf32, #tpu.memory_space<vmem>>)
        "tpu.trace_stop"() : () -> ()
        %ne3A_490 = arith.cmpi ne, %add3A_131, %add3A_149 : i32
        %or3A_491 = arith.constant false
        %or3A_492 = arith.ori %or3A_491, %ne3A_490 : i1
        %or3A_493 = arith.constant false
        %or3A_494 = arith.ori %or3A_492, %or3A_493 : i1
        %or3A_495 = arith.ori %or3A_494, %eq3A_130 : i1
        %convert_element_type3A_496 = arith.extui %or3A_495 : i1 to i32
        %cond3A_497 = arith.constant 0 : i32
        %cond3A_498 = arith.cmpi ne, %convert_element_type3A_496, %cond3A_497 : i32
        scf.if %cond3A_498 {
        } else {
        }
        %and3A_499 = arith.constant false
        %and3A_500 = arith.andi %or3A_495, %and3A_499 : i1
        %ne3A_501 = arith.cmpi ne, %add3A_131, %add3A_149 : i32
        %or3A_502 = arith.constant false
        %or3A_503 = arith.ori %or3A_502, %ne3A_501 : i1
        %or3A_504 = arith.constant false
        %or3A_505 = arith.ori %or3A_503, %or3A_504 : i1
        %or3A_506 = arith.ori %or3A_505, %eq3A_130 : i1
        %convert_element_type3A_507 = arith.extui %or3A_506 : i1 to i32
        %cond3A_508 = arith.constant 0 : i32
        %cond3A_509 = arith.cmpi ne, %convert_element_type3A_507, %cond3A_508 : i32
        scf.if %cond3A_509 {
          "tpu.trace_start"() <{level = 10 : i32, message = "ep_copy_out"}> : () -> ()
          %rem3A_561 = arith.constant 2 : i32
          %rem3A_562 = arith.remui %scan3A_124, %rem3A_561 : i32
          %mul3A_563 = arith.constant 1024 : i32
          %mul3A_564 = arith.muli %mul3A_563, %add3A_131 : i32
          %dma_start3A_565 = arith.constant 0 : i32
          %dma_start3A_566 = arith.constant 0 : i32
          %dma_start3A_567 = tpu.memref_slice %run_scoped3A_8[%rem3A_562, %dma_start3A_565, %dma_start3A_566] : memref<2x1024x32xf32, #tpu.memory_space<vmem>> -> memref<1x1024x32xf32, #tpu.memory_space<vmem>>
          %dma_start3A_568 = tpu.memref_squeeze %dma_start3A_567 : memref<1x1024x32xf32, #tpu.memory_space<vmem>> -> memref<1024x32xf32, #tpu.memory_space<vmem>>
          %dma_start3A_569 = arith.constant 0 : i32
          %dma_start3A_570 = tpu.memref_slice %arg4[%mul3A_564, %dma_start3A_569] : memref<3276800x32xf32, #tpu.memory_space<hbm>> -> memref<1024x32xf32, #tpu.memory_space<hbm>>
          %dma_start3A_571 = tpu.memref_slice %run_scoped3A_9[%rem3A_562] : memref<2x!tpu.dma_semaphore, #tpu.memory_space<semaphore_mem>> -> memref<1x!tpu.dma_semaphore, #tpu.memory_space<semaphore_mem>>
          %dma_start3A_572 = tpu.memref_squeeze %dma_start3A_571 : memref<1x!tpu.dma_semaphore, #tpu.memory_space<semaphore_mem>> -> memref<!tpu.dma_semaphore, #tpu.memory_space<semaphore_mem>>
          %dma_start3A_573 = arith.constant 0 : i32
          %dma_start3A_574 = tpu.memref_slice %arg4[%mul3A_564, %dma_start3A_573] : memref<3276800x32xf32, #tpu.memory_space<hbm>> -> memref<1024x32xf32, #tpu.memory_space<hbm>>
          %dma_start3A_575 = arith.constant 0 : i32
          %dma_start3A_576 = arith.constant 0 : i32
          %dma_start3A_577 = tpu.memref_slice %run_scoped3A_8[%rem3A_562, %dma_start3A_575, %dma_start3A_576] : memref<2x1024x32xf32, #tpu.memory_space<vmem>> -> memref<1x1024x32xf32, #tpu.memory_space<vmem>>
          %dma_start3A_578 = tpu.memref_squeeze %dma_start3A_577 : memref<1x1024x32xf32, #tpu.memory_space<vmem>> -> memref<1024x32xf32, #tpu.memory_space<vmem>>
          tpu.enqueue_dma source(%dma_start3A_578 : memref<1024x32xf32, #tpu.memory_space<vmem>>) target(%dma_start3A_574 : memref<1024x32xf32, #tpu.memory_space<hbm>>) target_semaphore(%dma_start3A_572 : memref<!tpu.dma_semaphore, #tpu.memory_space<semaphore_mem>>)
          "tpu.trace_stop"() : () -> ()
        } else {
        }
        %and3A_510 = arith.constant true
        %and3A_511 = arith.andi %or3A_506, %and3A_510 : i1
        %add3A_512 = arith.constant 1 : i32
        %add3A_513 = arith.addi %scan3A_124, %add3A_512 : i32
        %select_n3A_514 = arith.select %and3A_511, %add3A_513, %scan3A_124 : i32
        %ne3A_515 = arith.cmpi ne, %add3A_131, %add3A_140 : i32
        %or3A_516 = arith.constant false
        %or3A_517 = arith.ori %or3A_516, %ne3A_515 : i1
        %or3A_518 = arith.constant false
        %or3A_519 = arith.ori %or3A_517, %or3A_518 : i1
        %not3A_520 = arith.constant true
        %not3A_521 = arith.xori %eq3A_128, %not3A_520 : i1
        %and3A_522 = arith.andi %or3A_519, %not3A_521 : i1
        %convert_element_type3A_523 = arith.extui %and3A_522 : i1 to i32
        %cond3A_524 = arith.constant 0 : i32
        %cond3A_525 = arith.cmpi ne, %convert_element_type3A_523, %cond3A_524 : i32
        scf.if %cond3A_525 {
        } else {
        }
        %and3A_526 = arith.constant false
        %and3A_527 = arith.andi %and3A_522, %and3A_526 : i1
        %ne3A_528 = arith.cmpi ne, %add3A_131, %add3A_140 : i32
        %or3A_529 = arith.constant false
        %or3A_530 = arith.ori %or3A_529, %ne3A_528 : i1
        %or3A_531 = arith.constant false
        %or3A_532 = arith.ori %or3A_530, %or3A_531 : i1
        %not3A_533 = arith.constant true
        %not3A_534 = arith.xori %eq3A_128, %not3A_533 : i1
        %and3A_535 = arith.andi %or3A_532, %not3A_534 : i1
        %convert_element_type3A_536 = arith.extui %and3A_535 : i1 to i32
        %cond3A_537 = arith.constant 0 : i32
        %cond3A_538 = arith.cmpi ne, %convert_element_type3A_536, %cond3A_537 : i32
        scf.if %cond3A_538 {
          "tpu.trace_start"() <{level = 10 : i32, message = "ep_wait_out"}> : () -> ()
          %rem3A_561 = arith.constant 2 : i32
          %rem3A_562 = arith.remui %scan3A_125, %rem3A_561 : i32
          %mul3A_563 = arith.constant 1024 : i32
          %mul3A_564 = arith.muli %mul3A_563, %add3A_140 : i32
          %dma_wait3A_565 = arith.constant 0 : i32
          %dma_wait3A_566 = arith.constant 0 : i32
          %dma_wait3A_567 = tpu.memref_slice %run_scoped3A_8[%rem3A_562, %dma_wait3A_565, %dma_wait3A_566] : memref<2x1024x32xf32, #tpu.memory_space<vmem>> -> memref<1x1024x32xf32, #tpu.memory_space<vmem>>
          %dma_wait3A_568 = tpu.memref_squeeze %dma_wait3A_567 : memref<1x1024x32xf32, #tpu.memory_space<vmem>> -> memref<1024x32xf32, #tpu.memory_space<vmem>>
          %dma_wait3A_569 = arith.constant 0 : i32
          %dma_wait3A_570 = tpu.memref_slice %arg4[%mul3A_564, %dma_wait3A_569] : memref<3276800x32xf32, #tpu.memory_space<hbm>> -> memref<1024x32xf32, #tpu.memory_space<hbm>>
          %dma_wait3A_571 = tpu.memref_slice %run_scoped3A_9[%rem3A_562] : memref<2x!tpu.dma_semaphore, #tpu.memory_space<semaphore_mem>> -> memref<1x!tpu.dma_semaphore, #tpu.memory_space<semaphore_mem>>
          %dma_wait3A_572 = tpu.memref_squeeze %dma_wait3A_571 : memref<1x!tpu.dma_semaphore, #tpu.memory_space<semaphore_mem>> -> memref<!tpu.dma_semaphore, #tpu.memory_space<semaphore_mem>>
          %dma_wait3A_573 = arith.constant 0 : i32
          %dma_wait3A_574 = tpu.memref_slice %arg4[%mul3A_564, %dma_wait3A_573] : memref<3276800x32xf32, #tpu.memory_space<hbm>> -> memref<1024x32xf32, #tpu.memory_space<hbm>>
          %dma_wait3A_575 = arith.constant 0 : i32
          %dma_wait3A_576 = arith.constant 0 : i32
          %dma_wait3A_577 = tpu.memref_slice %run_scoped3A_8[%rem3A_562, %dma_wait3A_575, %dma_wait3A_576] : memref<2x1024x32xf32, #tpu.memory_space<vmem>> -> memref<1x1024x32xf32, #tpu.memory_space<vmem>>
          %dma_wait3A_578 = tpu.memref_squeeze %dma_wait3A_577 : memref<1x1024x32xf32, #tpu.memory_space<vmem>> -> memref<1024x32xf32, #tpu.memory_space<vmem>>
          tpu.wait_dma2 semaphore(%dma_wait3A_572 : memref<!tpu.dma_semaphore, #tpu.memory_space<semaphore_mem>>) src(%dma_wait3A_578 : memref<1024x32xf32, #tpu.memory_space<vmem>>) dst(%dma_wait3A_574 : memref<1024x32xf32, #tpu.memory_space<hbm>>)
          "tpu.trace_stop"() : () -> ()
        } else {
        }
        %and3A_539 = arith.constant true
        %and3A_540 = arith.andi %and3A_535, %and3A_539 : i1
        %add3A_541 = arith.constant 1 : i32
        %add3A_542 = arith.addi %scan3A_125, %add3A_541 : i32
        %select_n3A_543 = arith.select %and3A_540, %add3A_542, %scan3A_125 : i32
        %ne3A_544 = arith.cmpi ne, %add3A_131, %add3A_149 : i32
        %or3A_545 = arith.constant false
        %or3A_546 = arith.ori %or3A_545, %ne3A_544 : i1
        %or3A_547 = arith.constant false
        %or3A_548 = arith.ori %or3A_546, %or3A_547 : i1
        %or3A_549 = arith.ori %or3A_548, %eq3A_130 : i1
        %add3A_550 = arith.constant 1 : i32
        %add3A_551 = arith.addi %scan3A_123, %add3A_550 : i32
        %select_n3A_552 = arith.select %or3A_549, %add3A_551, %scan3A_123 : i32
        %add3A_553 = arith.constant 1 : i32
        %add3A_554 = arith.addi %scan3A_126, %add3A_553 : i32
        %select_n3A_555 = arith.constant true
        %select_n3A_556 = arith.select %select_n3A_555, %add3A_554, %scan3A_126 : i32
        %eq3A_557 = arith.constant 100 : i32
        %eq3A_558 = arith.cmpi eq, %select_n3A_556, %eq3A_557 : i32
        %select_n3A_559 = arith.constant 0 : i32
        %select_n3A_560 = arith.select %eq3A_558, %select_n3A_559, %select_n3A_556 : i32
        scf.yield %select_n3A_169, %select_n3A_552, %select_n3A_514, %select_n3A_543, %select_n3A_560 : i32, i32, i32, i32, i32
      }
      %scan3A_68 = arith.constant 100 : i32
      %sub3A = arith.constant 1 : i32
      %sub3A_69 = arith.subi %scan3A_67#4, %sub3A : i32
      %select_n3A_70 = arith.constant true
      %select_n3A_71 = arith.select %select_n3A_70, %sub3A_69, %scan3A_67#4 : i32
      %eq3A_72 = arith.constant -1 : i32
      %eq3A_73 = arith.cmpi eq, %select_n3A_71, %eq3A_72 : i32
      %select_n3A_74 = arith.constant 99 : i32
      %select_n3A_75 = arith.select %eq3A_73, %select_n3A_74, %select_n3A_71 : i32
      %add3A_76 = arith.addi %select_n3A_75, %mul3A_6 : i32
      %sub3A_77 = arith.constant 1 : i32
      %sub3A_78 = arith.subi %select_n3A_75, %sub3A_77 : i32
      %select_n3A_79 = arith.constant true
      %select_n3A_80 = arith.select %select_n3A_79, %sub3A_78, %select_n3A_75 : i32
      %eq3A_81 = arith.constant -1 : i32
      %eq3A_82 = arith.cmpi eq, %select_n3A_80, %eq3A_81 : i32
      %select_n3A_83 = arith.constant 99 : i32
      %select_n3A_84 = arith.select %eq3A_82, %select_n3A_83, %select_n3A_80 : i32
      %add3A_85 = arith.addi %select_n3A_84, %mul3A_6 : i32
      %add3A_86 = arith.constant 1 : i32
      %add3A_87 = arith.addi %select_n3A_75, %add3A_86 : i32
      %select_n3A_88 = arith.constant true
      %select_n3A_89 = arith.select %select_n3A_88, %add3A_87, %select_n3A_75 : i32
      %eq3A_90 = arith.constant 100 : i32
      %eq3A_91 = arith.cmpi eq, %select_n3A_89, %eq3A_90 : i32
      %select_n3A_92 = arith.constant 0 : i32
      %select_n3A_93 = arith.select %eq3A_91, %select_n3A_92, %select_n3A_89 : i32
      %add3A_94 = arith.addi %select_n3A_93, %mul3A_6 : i32
      %add3A_95 = arith.constant 1 : i32
      %add3A_96 = arith.addi %select_n3A_93, %add3A_95 : i32
      %select_n3A_97 = arith.constant true
      %select_n3A_98 = arith.select %select_n3A_97, %add3A_96, %select_n3A_93 : i32
      %eq3A_99 = arith.constant 100 : i32
      %eq3A_100 = arith.cmpi eq, %select_n3A_98, %eq3A_99 : i32
      %select_n3A_101 = arith.constant 0 : i32
      %select_n3A_102 = arith.select %eq3A_100, %select_n3A_101, %select_n3A_98 : i32
      %add3A_103 = arith.addi %select_n3A_102, %mul3A_6 : i32
      "tpu.trace_start"() <{level = 10 : i32, message = "ep_finalize"}> : () -> ()
      %rem3A_104 = arith.constant 2 : i32
      %rem3A_105 = arith.remui %scan3A_67#3, %rem3A_104 : i32
      %mul3A_106 = arith.constant 1024 : i32
      %mul3A_107 = arith.muli %mul3A_106, %add3A_76 : i32
      %dma_wait3A = arith.constant 0 : i32
      %dma_wait3A_108 = arith.constant 0 : i32
      %dma_wait3A_109 = tpu.memref_slice %run_scoped3A_8[%rem3A_105, %dma_wait3A, %dma_wait3A_108] : memref<2x1024x32xf32, #tpu.memory_space<vmem>> -> memref<1x1024x32xf32, #tpu.memory_space<vmem>>
      %dma_wait3A_110 = tpu.memref_squeeze %dma_wait3A_109 : memref<1x1024x32xf32, #tpu.memory_space<vmem>> -> memref<1024x32xf32, #tpu.memory_space<vmem>>
      %dma_wait3A_111 = arith.constant 0 : i32
      %dma_wait3A_112 = tpu.memref_slice %arg4[%mul3A_107, %dma_wait3A_111] : memref<3276800x32xf32, #tpu.memory_space<hbm>> -> memref<1024x32xf32, #tpu.memory_space<hbm>>
      %dma_wait3A_113 = tpu.memref_slice %run_scoped3A_9[%rem3A_105] : memref<2x!tpu.dma_semaphore, #tpu.memory_space<semaphore_mem>> -> memref<1x!tpu.dma_semaphore, #tpu.memory_space<semaphore_mem>>
      %dma_wait3A_114 = tpu.memref_squeeze %dma_wait3A_113 : memref<1x!tpu.dma_semaphore, #tpu.memory_space<semaphore_mem>> -> memref<!tpu.dma_semaphore, #tpu.memory_space<semaphore_mem>>
      %dma_wait3A_115 = arith.constant 0 : i32
      %dma_wait3A_116 = tpu.memref_slice %arg4[%mul3A_107, %dma_wait3A_115] : memref<3276800x32xf32, #tpu.memory_space<hbm>> -> memref<1024x32xf32, #tpu.memory_space<hbm>>
      %dma_wait3A_117 = arith.constant 0 : i32
      %dma_wait3A_118 = arith.constant 0 : i32
      %dma_wait3A_119 = tpu.memref_slice %run_scoped3A_8[%rem3A_105, %dma_wait3A_117, %dma_wait3A_118] : memref<2x1024x32xf32, #tpu.memory_space<vmem>> -> memref<1x1024x32xf32, #tpu.memory_space<vmem>>
      %dma_wait3A_120 = tpu.memref_squeeze %dma_wait3A_119 : memref<1x1024x32xf32, #tpu.memory_space<vmem>> -> memref<1024x32xf32, #tpu.memory_space<vmem>>
      tpu.wait_dma2 semaphore(%dma_wait3A_114 : memref<!tpu.dma_semaphore, #tpu.memory_space<semaphore_mem>>) src(%dma_wait3A_120 : memref<1024x32xf32, #tpu.memory_space<vmem>>) dst(%dma_wait3A_116 : memref<1024x32xf32, #tpu.memory_space<hbm>>)
      "tpu.trace_stop"() : () -> ()
      tpu.yield
    }) : () -> ()
    return
  }
}

</mosaic_0001>

<sc_bundles>
// kernel: kernel.3.cloned.1.call-start
scs
__scs_entry_jumppad:
0x0: {  	(pc) =	sbr.rel $0x88, $3  }
0x1: {  	(tag) =	ssettag $0x0;
	lr =	simm.s32 $0x1  }
0x2: {  	[smem:$0x3F9F] =	sst lr;
	_ =	strace $0xD0000000  }
0x3: {  	_ = 	snop  }
0x4: {  	_ = 	snop  }
0x5: {  	_ = 	snop  }
0x6: {  	_ = 	snop  }
0x7: {  	_ = 	snop  }
__scs_overlays_trampoline_lowered:
0x8: {  	[smem:$0x3FAE] =	sst s0  }
0x9: {  	[smem:$0x3FAF] =	sst s1  }
0xa: {  	[smem:$0x3FB0] =	sst s2  }
0xb: {  	[smem:$0x3FB1] =	sst s3  }
0xc: {  	[smem:$0x3FB2] =	sst s4  }
0xd: {  	[smem:$0x3FB3] =	sst s5  }
0xe: {  	[smem:$0x3FB4] =	sst s6  }
0xf: {  	[smem:$0x3FB5] =	sst s7  }
0x10: {  	[smem:$0x3FB6] =	sst s8  }
0x11: {  	[smem:$0x3FB7] =	sst s9;
	s0 =	simm.s32 @!p0 $0x0  }
0x12: {  	s1 =	sld [smem:$0x3F9D];
	s0 =	simm.s32 @p0 $0x1  }
0x13: {  	[smem:$0x3FB8] =	sst s0;
	s0 =	simm.s32 @!p1 $0x0  }
0x14: {  	s2 =	sld [smem:$0x3F9C];
	s0 =	simm.s32 @p1 $0x1  }
0x15: {  	[smem:$0x3FB9] =	sst s0;
	s0 =	simm.s32 @!p2 $0x0  }
0x16: {  	s3 =	sld [smem:$0x3FDB];
	s0 =	simm.s32 @p2 $0x1  }
0x17: {  	s4 =	simm.s32 $0x1BF5;
	[smem:$0x3FBB] =	sst s0  }
0x18: {  	s0 =	sld [smem:$0x3F9E];
	_ =	swait.ge [sflag:s4], $0x0  }
0x19: {  	s7 =	sld [smem:$0x3F9F]  }
0x1a: {  	s8 =	sadd.s32 $0xFFFFE003, lr  }
0x1b: {  	s9 =	sadd.s32 $0xFFFFFEF7, lr;
	s5 =	simm.s32 $0xFFFFFFFF;
	p2 =	slt.u32 s8, $0xFFFFF086  }
0x1c: {  	p1 =	slt.u32 s9, $0xF7A;
	s5 =	simm.s32 @!p2 $0x0  }
0x1d: {  	s5 =	simm.s32 @p1 $0x1;
	p0 =	seq.s32 s7, s2  }
0x1e: {  	s7 =	smul.u32 @!p0 $0xF7A, s2;
	p2 =	seq.s32 @!p0 s5, $0x0  }
0x1f: {  	s9 =	smul.u32 $0xF7A, s1;
	s8 =	simm.s32 @!p0 $0x1BF5;
	p2 =	por !p2, p0  }
0x20: {  	[sflag:s8] =	ssyncset.s32 @!p0 $0xFFFFF086;
	s6 =	sadd.s32 @!p0 s3, s7;
	s7 =	simm.s32 @!p0 $0x108  }
0x21: {  	s3 =	sadd.s32 s3, s9;
	s6 =	sadd.s32 @!p0 $0x88, s6;
	s7 =	simm.s32 @p2 $0x1082  }
0x22: {  	[simem:s7], [sflag:s8] =	dma.local @!p0 [hbm:s6], $0xF7A  }
0x23: {  	s9 =	sor.u32 $0xD0000000, s2;
	s6 =	simm.s32 $0x108;
	_ =	swait.ge @!p0 [sflag:s8], $0x0  }
0x24: {  	s3 =	sadd.s32 $0x88, s3;
	s6 =	simm.s32 @!p1 $0x1082;
	[sflag:s4] =	ssyncset.s32 $0xFFFFF086  }
0x25: {  	[simem:s6], [sflag:s4] =	dma.local [hbm:s3], $0xF7A  }
0x26: {  	[smem:$0x3F9F] =	sst s1;
	(tag) =	ssettag s2;
	_ =	strace s9  }
0x27: {  	s1 =	sld [smem:$0x3FAF]  }
0x28: {  	s2 =	sld [smem:$0x3FB0]  }
0x29: {  	s4 =	sld [smem:$0x3FB2]  }
0x2a: {  	p0 =	seq.s32 s5, $0x0;
	s5 =	sld [smem:$0x3FB3]  }
0x2b: {  	s6 =	sld [smem:$0x3FB4]  }
0x2c: {  	s7 =	sld [smem:$0x3FB5]  }
0x2d: {  	s3 =	simm.s32 $0x108;
	s8 =	sld [smem:$0x3FB6]  }
0x2e: {  	s3 =	simm.s32 @!p0 $0x1082;
	s9 =	sld [smem:$0x3FB7]  }
0x2f: {  	lr =	sadd.s32 s0, s3;
	s0 =	sld [smem:$0x3FAE]  }
0x30: {  	s3 =	sld [smem:$0x3FB1]  }
0x31: {  	[smem:$0x3FBA] =	sst s10  }
0x32: {  	s10 =	sld [smem:$0x3FB8];
	_ =	sdelay $0x3  }
0x33: {  	p0 =	seq.s32 s10, $0x1;
	s10 =	sld [smem:$0x3FBA];
	_ =	sdelay $0x3  }
0x34: {  	[smem:$0x3FBA] =	sst s10  }
0x35: {  	s10 =	sld [smem:$0x3FB9];
	_ =	sdelay $0x3  }
0x36: {  	p1 =	seq.s32 s10, $0x1;
	s10 =	sld [smem:$0x3FBA];
	_ =	sdelay $0x3  }
0x37: {  	[smem:$0x3FBA] =	sst s10  }
0x38: {  	s10 =	sld [smem:$0x3FBB]  }
0x39: {  	_ = 	snop;
	(pc) =	sbr.ind lr, $3  }
0x3a: {  	_ = 	snop  }
0x3b: {  	_ = 	snop  }
0x3c: {  	p2 =	seq.s32 s10, $0x1;
	s10 =	sld [smem:$0x3FBA]  }
0x3d: {  	_ =	shalt  }
0x3e: {  	_ =	shalt  }
0x3f: {  	_ =	shalt  }
0x40: {  	_ =	shalt  }
0x41: {  	_ =	shalt  }
0x42: {  	_ =	shalt  }
0x43: {  	_ =	shalt  }
0x44: {  	_ =	shalt  }
0x45: {  	_ =	shalt  }
0x46: {  	_ =	shalt  }
0x47: {  	_ =	shalt  }
0x48: {  	_ =	shalt  }
0x49: {  	_ =	shalt  }
0x4a: {  	_ =	shalt  }
0x4b: {  	_ =	shalt  }
0x4c: {  	_ =	shalt  }
0x4d: {  	_ =	shalt  }
0x4e: {  	_ =	shalt  }
0x4f: {  	_ =	shalt  }
0x50: {  	_ =	shalt  }
0x51: {  	_ =	shalt  }
0x52: {  	_ =	shalt  }
0x53: {  	_ =	shalt  }
0x54: {  	_ =	shalt  }
0x55: {  	_ =	shalt  }
0x56: {  	_ =	shalt  }
0x57: {  	_ =	shalt  }
0x58: {  	_ =	shalt  }
0x59: {  	_ =	shalt  }
0x5a: {  	_ =	shalt  }
0x5b: {  	_ =	shalt  }
0x5c: {  	_ =	shalt  }
0x5d: {  	_ =	shalt  }
0x5e: {  	_ =	shalt  }
0x5f: {  	_ =	shalt  }
0x60: {  	_ =	shalt  }
0x61: {  	_ =	shalt  }
0x62: {  	_ =	shalt  }
0x63: {  	_ =	shalt  }
0x64: {  	_ =	shalt  }
0x65: {  	_ =	shalt  }
0x66: {  	_ =	shalt  }
0x67: {  	_ =	shalt  }
0x68: {  	_ =	shalt  }
0x69: {  	_ =	shalt  }
0x6a: {  	_ =	shalt  }
0x6b: {  	_ =	shalt  }
0x6c: {  	_ =	shalt  }
0x6d: {  	_ =	shalt  }
0x6e: {  	_ =	shalt  }
0x6f: {  	_ =	shalt  }
0x70: {  	_ =	shalt  }
0x71: {  	_ =	shalt  }
0x72: {  	_ =	shalt  }
0x73: {  	_ =	shalt  }
0x74: {  	_ =	shalt  }
0x75: {  	_ =	shalt  }
0x76: {  	_ =	shalt  }
0x77: {  	_ =	shalt  }
0x78: {  	_ =	shalt  }
0x79: {  	_ =	shalt  }
0x7a: {  	_ =	shalt  }
0x7b: {  	_ =	shalt  }
0x7c: {  	_ =	shalt  }
0x7d: {  	_ =	shalt  }
0x7e: {  	_ =	shalt  }
0x7f: {  	_ =	shalt  }
0x80: {  	_ =	shalt  }
0x81: {  	_ =	shalt  }
0x82: {  	_ =	shalt  }
0x83: {  	_ =	shalt  }
0x84: {  	_ =	shalt  }
0x85: {  	_ =	shalt  }
0x86: {  	_ =	shalt  }
0x87: {  	_ =	shalt  }
.Lfunc_end0:
.L_simem_size_0:
called_computation.1_lowered:
.L_overlay_start_0:
0x88: {  	s2 =	sld [smem:$0x3FD9]  }
0x89: {  	s3 =	sld [smem:$0x3FFE];
	_ =	sdelay $0x1  }
0x8a: {  	s1 =	srdreg.scid  }
0x8b: {  	s0 =	sand.u32 $0x1, s1  }
0x8c: {  	s17 =	sshll.u32 s0, $0xA;
	s2 =	sadd.s32 s3, s2  }
0x8d: {  	s2 =	sadd.s32 s2, s17  }
0x8e: {  	[smem:$0x3FC6] =	sst s2  }
0x8f: {  	_ = 	snop  }
0x90: {  	s2 =	sld [smem:$0x3FD0];
	(tm) =	ssettm $0x1  }
0x91: {  	s18 =	sld [smem:$0x3FFB];
	_ =	sdelay $0x3  }
0x92: {  	_ =	strace s18  }
0x93: {  	s3 =	sld [smem:$0x3FFC];
	_ =	sdelay $0x3  }
0x94: {  	_ =	strace s3  }
0x95: {  	s3 =	sld [smem:$0x3FFD];
	_ =	sdelay $0x3  }
0x96: {  	_ =	strace s3  }
0x97: {  	_ =	strace $0x8FFFFFFF  }
0x98: {  	s19 =	sld [smem:$0x3FDB];
	_ =	sdelay $0x1  }
0x99: {  	s4 =	simm.s32 $_scs_section_size  }
0x9a: {  	s5 =	simm.s32 $_size__tile_overlayer_lowered;
	s6 =	simm.s32 $_tile_overlayer_lowered  }
0x9b: {  	s22 =	simm.s32 $0x1BFF;
	s21 =	sshll.u32 s6, $0x1;
	s3 =	sadd.s32 s4, s19  }
0x9c: {  	s7 =	simm.s32 $0x0;
	s20 =	sshll.u32 s5, $0x1;
	s5 =	sadd.s32 s21, s3  }
0x9d: {  	[timem:s7], [sflag:s22] =	dma.local [hbm:s5], s20  }
0x9e: {  	_ =	swait.ge [sflag:s22], s20  }
0x9f: {  	s4 =	ssub.s32 $0x0, s20;
	[sflag:s22] =	ssyncset.done $0x0  }
0xa0: {  	[sflag:s22] =	ssyncadd.s32 s4;
	_ =	sdelay $0x1  }
0xa1: {  	s23 =	simm.s32 $0x1B8B  }
0xa2: {  	_ =	swait.ge [sflag:s23], $0x1  }
0xa3: {  	[sflag:s23] =	ssyncset.done $0x0  }
0xa4: {  	s25 =	simm.s32 $0x1B8E;
	s24 =	sld [smem:$0x3FFE];
	[sflag:s23] =	ssyncadd.s32 $0xFFFFFFFF  }
0xa5: {  	s26 =	simm.s32 $execute0_lowered;
	[smem:$0x3FD2] =	sst s25  }
0xa6: {  	s5 =	sshll.u32 s26, $0x1;
	_ =	strace $0x80000046;
	[dreg:$0x1] =	wrdreg $0xFFFFFFFF  }
0xa7: {  	s28 =	simm.s32 $_size_execute0_lowered;
	s3 =	sadd.s32 s3, s5;
	[dreg:$0x0] =	wrdreg $0x0  }
0xa8: {  	s5 =	sshll.u32 s28, $0x1;
	[dreg:$0x2] =	wrdreg s3  }
0xa9: {  	[dreg:$0x3] =	wrdreg s5  }
0xaa: {  	[dreg:$0x4] =	wrdreg $0xC0  }
0xab: {  	_ =	task [dreg:s7], $0x5FFFF  }
0xac: {  	[dreg:$0x1] =	wrdreg $0xFFFFFFFF  }
0xad: {  	[dreg:$0x0] =	wrdreg $0x60  }
0xae: {  	[dreg:$0x2] =	wrdreg s24  }
0xaf: {  	[dreg:$0x3] =	wrdreg s2  }
0xb0: {  	[dreg:$0x4] =	wrdreg $0x9  }
0xb1: {  	_ =	task.clear_ibuf [dreg:s7], $0x5FFFF;
	_ =	strace $0x90000046  }
0xb2: {  	s29 =	simm.s32 $0x9;
	_ =	strace $0x8000004F  }
0xb3: {  	_ =	swait.ge [sflag:s29], $0x1  }
0xb4: {  	[sflag:s29] =	ssyncadd.s32 $0xFFFFFFFF  }
0xb5: {  	_ =	strace $0x9000004F  }
0xb6: {  	_ =	sfence  }
0xb7: {  	s30 =	sld [smem:$0x0];
	_ =	sdelay $0x2  }
0xb8: {  	s31 =	sshll.u32 s1, $0xD;
	s1 =	sshrl.u32 s1, $0x2  }
0xb9: {  	s3 =	sand.u32 $0x4000, s31;
	s1 =	sadd.s32 s1, s30  }
0xba: {  	s0 =	sor.u32 s3, s0;
	s1 =	sshll.u32 s1, $0x11  }
0xbb: {  	s0 =	sor.u32 s1, s0  }
0xbc: {  	s0 =	sadd.s32 $0x8F2B, s0  }
0xbd: {  	[sflag:s0] =	ssyncadd.remote.s32 $0x1  }
0xbe: {  	_ =	sfence.sel $0xFFFF  }
0xbf: {  	[dreg:$0x0] =	wrdreg $0xFFFFFFFF;
	(pc) =	sbr.abs _section_cstart, $3  }
0xc0: {  	[dreg:$0x1] =	wrdreg $0xFFFFFFFF  }
0xc1: {  	_ =	task.clear_ibuf [dreg:s7], $0x2FFFF;
	_ =	strace $0x9FFFFFFF  }
0xc2: {  	(tm) =	ssettm $0x7FFFFFFF  }
0xc3: {  	_ =	shalt  }
tec
execute0_lowered:
.L_overlay_start_1:
0x0: {  	(tag) =	ssettag $0x1  }
0x1: {  	s4 =	rddreg [dreg:$0x0]  }
0x2: {  	s0 =	rddreg [dreg:$0x1];
	s1 =	srdreg.scid;
	s2 =	simm.s32 $0x0  }
0x3: {  	s9 =	simm.s32 $0x80;
	s10 =	simm.s32 $0x5;
	[dreg:$0x3] =	wrdreg s0  }
0x4: {  	s11 =	simm.s32 $0x0;
	s0 =	rddreg [dreg:$0x2];
	s3 =	sand.u32 $0x1, s1  }
0x5: {  	[smem:$0x7FF] =	sst s2;
	s1 =	stileid.u32;
	s5 =	sshll.u32 s3, $0x4  }
0x6: {  	_ =	strace $0x80000047;
	s6 =	ssub.s32 $0x2, s3;
	s5 =	sor.u32 s1, s5  }
0x7: {  	s3 =	sadd.s32 $0xFA6C00, s4;
	s7 =	sshrl.u32 s6, $0x1;
	s8 =	smul.u32 $0x3200, s5  }
0x8: {  	s4 =	sadd.s32 $0x800, s4;
	s7 =	ssub.s32 s6, s7;
	s5 =	smul.u32 $0x64, s5  }
0x9: {  	s7 =	smax.u32 s7, $0x1;
	s6 =	sadd.s32 s4, s8;
	s8 =	simm.s32 $0x1  }
.LBB2_1:
0xa: {  	_ =	strace $0x80000048;
	s12 =	simm.s32 $0x1;
	p0 =	por $0x0, $0x0  }
0xb: {  	[tilespmem:s2], [sflag:$0x2] =	stream.linear.gather [hbm4b:s6+s2], $0x400, $0x200038;
	[tilespmem:$0x10800] =	vst v63  }
0xc: {  	s12 =	simm.s32 @p0 $0x0  }
0xd: {  	p1 =	por $0x1, $0x1;
	p0 =	sne.s32 s12, $0x0  }
0xe: {  	p1 =	por !p1, !p0  }
0xf: {  	p1 =	por !p1, !p1  }
0x10: {  	s13 =	sadd.s32 @p1 s5, s12  }
0x11: {  	_ =	strace $0x90000048;
	s14 =	sand.u32 @p1 $0x1, s8;
	s13 =	sshll.u32 @p1 s13, $0x7  }
0x12: {  	s15 =	simm.s32 @p1 $0x0;
	_ =	strace @p1 $0x80000049;
	s13 =	sand.u32 @p1 $0x1FFFFF80, s13  }
0x13: {  	s16 =	sshll.u32 @p1 s14, $0xA;
	s14 =	sor.u32 @p1 $0x2, s14;
	s13 =	sadd.s32 @p1 s4, s13  }
0x14: {  	[tilespmem:s16], [sflag:s14] =	stream.linear.gather @p1 [hbm4b:s13+s15], $0x400, $0x200038;
	[tilespmem:$0x10800] =	vst v63  }
0x15: {  	s18 =	sand.u32 $0x1, s2;
	_ =	strace @p1 $0x90000049  }
0x16: {  	s16 =	sor.u32 $0x2, s18;
	_ =	strace $0x8000004A  }
0x17: {  	_ =	swait.ge [sflag:s16], $0x400  }
0x18: {  	[sflag:s16] =	ssyncset.done $0x0  }
0x19: {  	[sflag:s16] =	ssyncadd.s32 $0xFFFFFC00  }
0x1a: {  	s17 =	simm.s32 $0x0;
	s14 =	sshll.u32 s18, $0xF;
	_ =	strace $0x9000004A  }
0x1b: {  	s13 =	sand.u32 $0x400, s17;
	s15 =	sor.u32 $0x800, s14;
	_ =	strace $0x8000004B  }
0x1c: {  	[tilespmem:s15], [sflag:$0x1] =	stream.indirect.gather [hbm4b:s3+s9], $0x20, s13, s9, $0x2000b8;
	[tilespmem:$0x10800] =	vst v63  }
0x1d: {  	s19 =	sor.u32 $0x1800, s14;
	s17 =	sor.u32 $0x80, s13  }
0x1e: {  	[tilespmem:s19], [sflag:$0x1] =	stream.indirect.gather [hbm4b:s3+s9], $0x20, s17, s9, $0x2000b8;
	[tilespmem:$0x10800] =	vst v63  }
0x1f: {  	s20 =	sor.u32 $0x2800, s14;
	s21 =	sor.u32 $0x100, s13  }
0x20: {  	[tilespmem:s20], [sflag:$0x1] =	stream.indirect.gather [hbm4b:s3+s9], $0x20, s21, s9, $0x2000b8;
	[tilespmem:$0x10800] =	vst v63  }
0x21: {  	s22 =	sor.u32 $0x3800, s14;
	s23 =	sor.u32 $0x180, s13  }
0x22: {  	[tilespmem:s22], [sflag:$0x1] =	stream.indirect.gather [hbm4b:s3+s9], $0x20, s23, s9, $0x2000b8;
	[tilespmem:$0x10800] =	vst v63  }
0x23: {  	s24 =	sor.u32 $0x4800, s14;
	s25 =	sor.u32 $0x200, s13  }
0x24: {  	[tilespmem:s24], [sflag:$0x1] =	stream.indirect.gather [hbm4b:s3+s9], $0x20, s25, s9, $0x2000b8;
	[tilespmem:$0x10800] =	vst v63  }
0x25: {  	s26 =	sor.u32 $0x5800, s14;
	s29 =	sor.u32 $0x280, s13  }
0x26: {  	[tilespmem:s26], [sflag:$0x1] =	stream.indirect.gather [hbm4b:s3+s9], $0x20, s29, s9, $0x2000b8;
	[tilespmem:$0x10800] =	vst v63  }
0x27: {  	s30 =	sor.u32 $0x6800, s14;
	s31 =	sor.u32 $0x300, s13  }
0x28: {  	[tilespmem:s30], [sflag:$0x1] =	stream.indirect.gather [hbm4b:s3+s9], $0x20, s31, s9, $0x2000b8;
	[tilespmem:$0x10800] =	vst v63  }
0x29: {  	s14 =	sor.u32 $0x7800, s14;
	s13 =	sor.u32 $0x380, s13  }
0x2a: {  	[tilespmem:s14], [sflag:$0x1] =	stream.indirect.gather [hbm4b:s3+s9], $0x20, s13, s9, $0x2000b8;
	[tilespmem:$0x10800] =	vst v63  }
0x2b: {  	_ =	swait.ge [sflag:s8], $0x1000  }
0x2c: {  	[sflag:s8] =	ssyncset.done $0x0  }
0x2d: {  	[sflag:s8] =	ssyncadd.s32 $0xFFFFF000  }
0x2e: {  	_ =	swait.ge [sflag:s8], $0x1000  }
0x2f: {  	[sflag:s8] =	ssyncset.done $0x0  }
0x30: {  	[sflag:s8] =	ssyncadd.s32 $0xFFFFF000  }
0x31: {  	_ =	swait.ge [sflag:s8], $0x1000  }
0x32: {  	[sflag:s8] =	ssyncset.done $0x0  }
0x33: {  	[sflag:s8] =	ssyncadd.s32 $0xFFFFF000  }
0x34: {  	_ =	swait.ge [sflag:s8], $0x1000  }
0x35: {  	[sflag:s8] =	ssyncset.done $0x0  }
0x36: {  	p2 =	por $0x1, $0x1;
	p3 =	por $0x0, $0x0;
	[sflag:s8] =	ssyncadd.s32 $0xFFFFF000  }
0x37: {  	p4 =	por $0x0, $0x0;
	p6 =	por $0x1, $0x1;
	_ =	swait.ge [sflag:s8], $0x1000  }
0x38: {  	p5 =	por p3, p0;
	s16 =	simm.s32 $0x62;
	[sflag:s8] =	ssyncset.done $0x0  }
0x39: {  	s19 =	sadd.s32 $0x1, s12;
	s20 =	sadd.s32 $0x0, s5;
	[sflag:s8] =	ssyncadd.s32 $0xFFFFF000  }
0x3a: {  	s21 =	sshll.u32 @p5 s20, $0xC;
	s22 =	simm.s32 $0x1;
	_ =	swait.ge [sflag:s8], $0x1000  }
0x3b: {  	s20 =	simm.s32 $0x0;
	s22 =	simm.s32 @!p5 $0x0;
	[sflag:s8] =	ssyncset.done $0x0  }
0x3c: {  	s25 =	sor.u32 @p5 $0x4, s18;
	s14 =	simm.s32 $0x1;
	[sflag:s8] =	ssyncadd.s32 $0xFFFFF000  }
0x3d: {  	s14 =	simm.s32 @!p1 $0x0;
	p1 =	por p2, p2;
	_ =	swait.ge [sflag:s8], $0x1000  }
0x3e: {  	s17 =	sadd.s32 $0x1, s14;
	s14 =	sand.u32 @!p2 $0x1, s2;
	[sflag:s8] =	ssyncset.done $0x0  }
0x3f: {  	s24 =	sor.u32 @!p1 $0x4, s14;
	s14 =	simm.s32 $0x1;
	[sflag:s8] =	ssyncadd.s32 $0xFFFFF000  }
0x40: {  	s14 =	simm.s32 @!p4 $0x0;
	p4 =	seq.s32 s19, $0x64;
	_ =	swait.ge [sflag:s8], $0x1000  }
0x41: {  	s18 =	simm.s32 $0x0;
	s19 =	simm.s32 @p4 $0x0;
	[sflag:s8] =	ssyncset.done $0x0  }
0x42: {  	s13 =	simm.s32 $0x63;
	p0 =	sne.s32 s12, s19;
	[sflag:s8] =	ssyncadd.s32 $0xFFFFF000  }
0x43: {  	p2 =	por $0x0, $0x0;
	p3 =	por !p6, !p0;
	_ =	strace $0x9000004B  }
0x44: {  	s14 =	sadd.s32 $0x0, s14;
	p4 =	por !p3, !p3;
	_ =	strace @p5 $0x8000004C  }
0x45: {  	s23 =	sand.u32 @p4 $0x1, s17;
	s28 =	sadd.s32 @p4 s5, s19;
	s26 =	rddreg [dreg:$0x3]  }
.LBB2_2:
0x46: {  	s29 =	sand.u32 @p5 $0x1FFFF000, s21;
	s18 =	sadd.s32 s22, s18  }
0x47: {  	s30 =	simm.s32 @p5 $0x0;
	s20 =	sadd.s32 s22, s20;
	s22 =	sadd.s32 @p5 s26, s29  }
0x48: {  	[hbm4b:s22+s30] =	stream.linear.scatter @p5 [tilespmem:s15], [sflag:s25], $0x8000, $0x200038;
	[tilespmem:$0x10800] =	vst v63  }
0x49: {  	_ =	strace @p5 $0x9000004C  }
0x4a: {  	_ =	strace @!p1 $0x8000004D  }
0x4b: {  	s28 =	sshll.u32 @p4 s28, $0x7;
	_ =	swait.ge @!p1 [sflag:s24], $0x8000  }
0x4c: {  	s28 =	sand.u32 @p4 $0x1FFFFF80, s28;
	s15 =	simm.s32 $0x1;
	[sflag:s24] =	ssyncset.done @!p1 $0x0  }
0x4d: {  	s28 =	sadd.s32 @p4 s4, s28;
	s15 =	simm.s32 @!p4 $0x0;
	[sflag:s24] =	ssyncadd.s32 @!p1 $0xFFFF8000  }
0x4e: {  	s17 =	sadd.s32 s15, s17;
	s15 =	simm.s32 @p4 $0x0;
	_ =	strace @!p1 $0x9000004D  }
0x4f: {  	s24 =	sshll.u32 @p4 s23, $0xA;
	s23 =	sor.u32 @p4 $0x2, s23;
	_ =	strace @p4 $0x80000049  }
0x50: {  	[tilespmem:s24], [sflag:s23] =	stream.linear.gather @p4 [hbm4b:s28+s15], $0x400, $0x200038;
	[tilespmem:$0x10800] =	vst v63  }
0x51: {  	s31 =	sand.u32 $0x1, s20;
	_ =	strace @p4 $0x90000049  }
0x52: {  	s26 =	sor.u32 $0x2, s31;
	_ =	strace $0x8000004A  }
0x53: {  	_ =	swait.ge [sflag:s26], $0x400  }
0x54: {  	[sflag:s26] =	ssyncset.done $0x0  }
0x55: {  	s23 =	sand.u32 $0x1, s18;
	[sflag:s26] =	ssyncadd.s32 $0xFFFFFC00  }
0x56: {  	s30 =	sshll.u32 s20, $0xA;
	s24 =	sshll.u32 s23, $0xF;
	_ =	strace $0x9000004A  }
0x57: {  	s25 =	sand.u32 $0x400, s30;
	s15 =	sor.u32 $0x800, s24;
	_ =	strace $0x8000004B  }
0x58: {  	[tilespmem:s15], [sflag:$0x1] =	stream.indirect.gather [hbm4b:s3+s9], $0x20, s25, s9, $0x2000b8;
	[tilespmem:$0x10800] =	vst v63  }
0x59: {  	s28 =	sor.u32 $0x80, s25;
	s29 =	sor.u32 $0x1800, s24  }
0x5a: {  	[tilespmem:s29], [sflag:$0x1] =	stream.indirect.gather [hbm4b:s3+s9], $0x20, s28, s9, $0x2000b8;
	[tilespmem:$0x10800] =	vst v63  }
0x5b: {  	s30 =	sor.u32 $0x2800, s24;
	s28 =	sor.u32 $0x100, s25  }
0x5c: {  	[tilespmem:s30], [sflag:$0x1] =	stream.indirect.gather [hbm4b:s3+s9], $0x20, s28, s9, $0x2000b8;
	[tilespmem:$0x10800] =	vst v63  }
0x5d: {  	s31 =	sor.u32 $0x3800, s24;
	s28 =	sor.u32 $0x180, s25  }
0x5e: {  	[tilespmem:s31], [sflag:$0x1] =	stream.indirect.gather [hbm4b:s3+s9], $0x20, s28, s9, $0x2000b8;
	[tilespmem:$0x10800] =	vst v63  }
0x5f: {  	s29 =	sor.u32 $0x4800, s24;
	s28 =	sor.u32 $0x200, s25  }
0x60: {  	[tilespmem:s29], [sflag:$0x1] =	stream.indirect.gather [hbm4b:s3+s9], $0x20, s28, s9, $0x2000b8;
	[tilespmem:$0x10800] =	vst v63  }
0x61: {  	s30 =	sor.u32 $0x5800, s24;
	s28 =	sor.u32 $0x280, s25  }
0x62: {  	[tilespmem:s30], [sflag:$0x1] =	stream.indirect.gather [hbm4b:s3+s9], $0x20, s28, s9, $0x2000b8;
	[tilespmem:$0x10800] =	vst v63  }
0x63: {  	s31 =	sor.u32 $0x6800, s24;
	s28 =	sor.u32 $0x300, s25  }
0x64: {  	[tilespmem:s31], [sflag:$0x1] =	stream.indirect.gather [hbm4b:s3+s9], $0x20, s28, s9, $0x2000b8;
	[tilespmem:$0x10800] =	vst v63  }
0x65: {  	s24 =	sor.u32 $0x7800, s24;
	s25 =	sor.u32 $0x380, s25  }
0x66: {  	[tilespmem:s24], [sflag:$0x1] =	stream.indirect.gather [hbm4b:s3+s9], $0x20, s25, s9, $0x2000b8;
	[tilespmem:$0x10800] =	vst v63  }
0x67: {  	_ =	swait.ge [sflag:s8], $0x1000  }
0x68: {  	[sflag:s8] =	ssyncset.done $0x0  }
0x69: {  	[sflag:s8] =	ssyncadd.s32 $0xFFFFF000  }
0x6a: {  	_ =	swait.ge [sflag:s8], $0x1000  }
0x6b: {  	[sflag:s8] =	ssyncset.done $0x0  }
0x6c: {  	[sflag:s8] =	ssyncadd.s32 $0xFFFFF000  }
0x6d: {  	_ =	swait.ge [sflag:s8], $0x1000  }
0x6e: {  	[sflag:s8] =	ssyncset.done $0x0  }
0x6f: {  	[sflag:s8] =	ssyncadd.s32 $0xFFFFF000  }
0x70: {  	_ =	swait.ge [sflag:s8], $0x1000  }
0x71: {  	[sflag:s8] =	ssyncset.done $0x0  }
0x72: {  	[sflag:s8] =	ssyncadd.s32 $0xFFFFF000  }
0x73: {  	s21 =	smov.u32 s13;
	s13 =	smov.u32 s16;
	_ =	swait.ge [sflag:s8], $0x1000  }
0x74: {  	s16 =	sadd.s32 $0xFFFFFFFF, s16;
	p6 =	seq.s32 s21, $0x1;
	[sflag:s8] =	ssyncset.done $0x0  }
0x75: {  	p5 =	sne.s32 s21, $0x64;
	s21 =	simm.s32 $0x1;
	[sflag:s8] =	ssyncadd.s32 $0xFFFFF000  }
0x76: {  	p3 =	sne.s32 s16, $0x0;
	s21 =	simm.s32 @!p5 $0x0;
	_ =	swait.ge [sflag:s8], $0x1000  }
0x77: {  	s22 =	sand.u32 @!p2 $0x1, s14;
	s14 =	sadd.s32 s21, s14;
	[sflag:s8] =	ssyncset.done $0x0  }
0x78: {  	p1 =	por p2, p2;
	s26 =	sadd.s32 s5, s12;
	[sflag:s8] =	ssyncadd.s32 $0xFFFFF000  }
0x79: {  	s12 =	smov.u32 s19;
	s19 =	sadd.s32 $0x1, s19;
	_ =	swait.ge [sflag:s8], $0x1000  }
0x7a: {  	p2 =	seq.s32 s13, $0x64;
	p5 =	seq.s32 s19, $0x64;
	[sflag:s8] =	ssyncset.done $0x0  }
0x7b: {  	s19 =	simm.s32 @p5 $0x0;
	p5 =	por p6, p0;
	[sflag:s8] =	ssyncadd.s32 $0xFFFFF000  }
0x7c: {  	p6 =	sne.s32 s13, $0x1;
	p0 =	sne.s32 s12, s19;
	_ =	swait.ge [sflag:s8], $0x1000  }
.Ltmp0:
0x7d: {  	p4 =	por !p6, !p0;
	[sflag:s8] =	ssyncset.done $0x0;
	(pc) =	sbr.rel @p3 .LBB2_2-.Ltmp0, $4  }
0x7e: {  	s21 =	sshll.u32 @p5 s26, $0xC;
	p4 =	por !p4, !p4;
	[sflag:s8] =	ssyncadd.s32 $0xFFFFF000  }
0x7f: {  	s28 =	sadd.s32 @p4 s5, s19;
	s24 =	sor.u32 @!p1 $0x4, s22;
	_ =	strace $0x9000004B  }
0x80: {  	s25 =	sor.u32 @p5 $0x4, s23;
	s22 =	simm.s32 $0x1;
	_ =	strace @p5 $0x8000004C  }
0x81: {  	s23 =	sand.u32 @p4 $0x1, s17;
	s22 =	simm.s32 @!p5 $0x0;
	s26 =	rddreg [dreg:$0x3]  }
0x82: {  	s16 =	sand.u32 @p5 $0x1FFFF000, s21  }
0x83: {  	s17 =	simm.s32 @p5 $0x0;
	s16 =	sadd.s32 @p5 s26, s16  }
0x84: {  	[hbm4b:s16+s17] =	stream.linear.scatter @p5 [tilespmem:s15], [sflag:s25], $0x8000, $0x200038;
	[tilespmem:$0x10800] =	vst v63  }
0x85: {  	_ =	strace @p5 $0x9000004C  }
0x86: {  	_ =	strace @!p1 $0x8000004D  }
0x87: {  	_ =	swait.ge @!p1 [sflag:s24], $0x8000  }
0x88: {  	s19 =	sshll.u32 @p4 s23, $0xA;
	[sflag:s24] =	ssyncset.done @!p1 $0x0  }
0x89: {  	s26 =	sadd.s32 s22, s20;
	s15 =	sshll.u32 @p4 s28, $0x7;
	[sflag:s24] =	ssyncadd.s32 @!p1 $0xFFFF8000  }
0x8a: {  	s20 =	sor.u32 @p4 $0x2, s23;
	s15 =	sand.u32 @p4 $0x1FFFFF80, s15;
	_ =	strace @!p1 $0x9000004D  }
0x8b: {  	s17 =	simm.s32 @p4 $0x0;
	s15 =	sadd.s32 @p4 s4, s15;
	_ =	strace @p4 $0x80000049  }
0x8c: {  	[tilespmem:s19], [sflag:s20] =	stream.linear.gather @p4 [hbm4b:s15+s17], $0x400, $0x200038;
	[tilespmem:$0x10800] =	vst v63  }
0x8d: {  	s28 =	sand.u32 $0x1, s26;
	_ =	strace @p4 $0x90000049  }
0x8e: {  	s15 =	sor.u32 $0x2, s28;
	_ =	strace $0x8000004A  }
0x8f: {  	_ =	swait.ge [sflag:s15], $0x400  }
0x90: {  	s29 =	sadd.s32 s22, s18;
	[sflag:s15] =	ssyncset.done $0x0  }
0x91: {  	[sflag:s15] =	ssyncadd.s32 $0xFFFFFC00;
	s15 =	sand.u32 $0x1, s29  }
0x92: {  	s16 =	sshll.u32 s26, $0xA;
	_ =	strace $0x9000004A;
	s17 =	sshll.u32 s15, $0xF  }
0x93: {  	s16 =	sand.u32 $0x400, s16;
	_ =	strace $0x8000004B;
	s18 =	sor.u32 $0x800, s17  }
0x94: {  	[tilespmem:s18], [sflag:$0x1] =	stream.indirect.gather [hbm4b:s3+s9], $0x20, s16, s9, $0x2000b8;
	[tilespmem:$0x10800] =	vst v63  }
0x95: {  	s31 =	sor.u32 $0x80, s16;
	s30 =	sor.u32 $0x1800, s17  }
0x96: {  	[tilespmem:s30], [sflag:$0x1] =	stream.indirect.gather [hbm4b:s3+s9], $0x20, s31, s9, $0x2000b8;
	[tilespmem:$0x10800] =	vst v63  }
0x97: {  	s22 =	sor.u32 $0x100, s16;
	s21 =	sor.u32 $0x2800, s17  }
0x98: {  	[tilespmem:s21], [sflag:$0x1] =	stream.indirect.gather [hbm4b:s3+s9], $0x20, s22, s9, $0x2000b8;
	[tilespmem:$0x10800] =	vst v63  }
0x99: {  	s24 =	sor.u32 $0x180, s16;
	s23 =	sor.u32 $0x3800, s17  }
0x9a: {  	[tilespmem:s23], [sflag:$0x1] =	stream.indirect.gather [hbm4b:s3+s9], $0x20, s24, s9, $0x2000b8;
	[tilespmem:$0x10800] =	vst v63  }
0x9b: {  	s26 =	sor.u32 $0x200, s16;
	s25 =	sor.u32 $0x4800, s17  }
0x9c: {  	[tilespmem:s25], [sflag:$0x1] =	stream.indirect.gather [hbm4b:s3+s9], $0x20, s26, s9, $0x2000b8;
	[tilespmem:$0x10800] =	vst v63  }
0x9d: {  	s29 =	sor.u32 $0x280, s16;
	s28 =	sor.u32 $0x5800, s17  }
0x9e: {  	[tilespmem:s28], [sflag:$0x1] =	stream.indirect.gather [hbm4b:s3+s9], $0x20, s29, s9, $0x2000b8;
	[tilespmem:$0x10800] =	vst v63  }
0x9f: {  	s30 =	sor.u32 $0x6800, s17;
	s31 =	sor.u32 $0x300, s16  }
0xa0: {  	[tilespmem:s30], [sflag:$0x1] =	stream.indirect.gather [hbm4b:s3+s9], $0x20, s31, s9, $0x2000b8;
	[tilespmem:$0x10800] =	vst v63  }
0xa1: {  	s17 =	sor.u32 $0x7800, s17;
	s16 =	sor.u32 $0x380, s16  }
0xa2: {  	[tilespmem:s17], [sflag:$0x1] =	stream.indirect.gather [hbm4b:s3+s9], $0x20, s16, s9, $0x2000b8;
	[tilespmem:$0x10800] =	vst v63  }
0xa3: {  	_ =	swait.ge [sflag:s8], $0x1000  }
0xa4: {  	[sflag:s8] =	ssyncset.done $0x0  }
0xa5: {  	[sflag:s8] =	ssyncadd.s32 $0xFFFFF000  }
0xa6: {  	_ =	swait.ge [sflag:s8], $0x1000  }
0xa7: {  	[sflag:s8] =	ssyncset.done $0x0  }
0xa8: {  	[sflag:s8] =	ssyncadd.s32 $0xFFFFF000  }
0xa9: {  	_ =	swait.ge [sflag:s8], $0x1000  }
0xaa: {  	[sflag:s8] =	ssyncset.done $0x0  }
0xab: {  	[sflag:s8] =	ssyncadd.s32 $0xFFFFF000  }
0xac: {  	_ =	swait.ge [sflag:s8], $0x1000  }
0xad: {  	[sflag:s8] =	ssyncset.done $0x0  }
0xae: {  	[sflag:s8] =	ssyncadd.s32 $0xFFFFF000  }
0xaf: {  	_ =	swait.ge [sflag:s8], $0x1000  }
0xb0: {  	[sflag:s8] =	ssyncset.done $0x0  }
0xb1: {  	[sflag:s8] =	ssyncadd.s32 $0xFFFFF000  }
0xb2: {  	_ =	swait.ge [sflag:s8], $0x1000  }
0xb3: {  	[sflag:s8] =	ssyncset.done $0x0  }
0xb4: {  	[sflag:s8] =	ssyncadd.s32 $0xFFFFF000  }
0xb5: {  	_ =	swait.ge [sflag:s8], $0x1000  }
0xb6: {  	[sflag:s8] =	ssyncset.done $0x0  }
0xb7: {  	[sflag:s8] =	ssyncadd.s32 $0xFFFFF000  }
0xb8: {  	_ =	swait.ge [sflag:s8], $0x1000  }
0xb9: {  	[sflag:s8] =	ssyncset.done $0x0  }
0xba: {  	p6 =	seq.s32 s13, $0x1;
	[sflag:s8] =	ssyncadd.s32 $0xFFFFF000  }
0xbb: {  	s12 =	sadd.s32 s5, s12;
	p0 =	por p6, p0;
	_ =	strace $0x9000004B  }
0xbc: {  	s12 =	sshll.u32 @p0 s12, $0xC;
	_ =	strace @p0 $0x8000004C  }
0xbd: {  	s12 =	sand.u32 @p0 $0x1FFFF000, s12;
	s13 =	rddreg [dreg:$0x3]  }
0xbe: {  	s15 =	sor.u32 @p0 $0x4, s15;
	s16 =	simm.s32 @p0 $0x0;
	s12 =	sadd.s32 @p0 s13, s12  }
0xbf: {  	[hbm4b:s12+s16] =	stream.linear.scatter @p0 [tilespmem:s18], [sflag:s15], $0x8000, $0x200038;
	[tilespmem:$0x10800] =	vst v63  }
0xc0: {  	p1 =	por p2, p2;
	s12 =	sand.u32 @!p2 $0x1, s14;
	_ =	strace @p0 $0x9000004C  }
0xc1: {  	s12 =	sor.u32 @!p1 $0x4, s12;
	_ =	strace @!p1 $0x8000004D  }
0xc2: {  	_ =	swait.ge @!p1 [sflag:s12], $0x8000  }
0xc3: {  	[sflag:s12] =	ssyncset.done @!p1 $0x0  }
0xc4: {  	s11 =	sadd.s32 $0x1, s11;
	[sflag:s12] =	ssyncadd.s32 @!p1 $0xFFFF8000  }
0xc5: {  	p0 =	sne.s32 s11, s7;
	_ =	strace @!p1 $0x9000004D  }
.Ltmp1:
0xc6: {  	_ =	strace $0x8000004E;
	(pc) =	sbr.rel @p0 .LBB2_1-.Ltmp1, $4  }
0xc7: {  	_ =	swait.ge [sflag:s10], $0x8000  }
0xc8: {  	[sflag:s10] =	ssyncset.done $0x0  }
0xc9: {  	[sflag:s10] =	ssyncadd.s32 $0xFFFF8000  }
0xca: {  	_ =	strace $0x9000004E  }
0xcb: {  	_ =	sfence.sel $0x180000  }
0xcc: {  	[bflag:$0x0] =	sbarrier.arrive $0xFFFF  }
0xcd: {  	p0 =	sne.s32 s1, $0x0;
	_ =	strace $0x90000047  }
0xce: {  	s0 =	sadd.s32 @!p0 $0x100000, s0;
	[bflag:$0x2] =	sbarrier.arrive $0xFFFF  }
0xcf: {  	[sflag:s0] =	ssyncadd.tile.s32 @!p0 $0x1;
	_ =	shalt  }
.Lfunc_end2:
_tile_overlayer_lowered:
.L_overlay_start_2:
0xd0: {  	(tag) =	ssettag $0x2  }
0xd1: {  	s0 =	rddreg [dreg:$0x0];
	s2 =	stileid.u32  }
0xd2: {  	s1 =	rddreg [dreg:$0x1];
	p0 =	sne.s32 s2, $0x0  }
0xd3: {  	s3 =	rddreg [dreg:$0x2];
	[bflag:$0x3] =	sbarrier.arrive $0xFFFF;
	s2 =	simm.s32 @!p0 $0x1C02  }
0xd4: {  	[timem:s3], [sflag:s2] =	dma.local @!p0 [hbm:s0], s1  }
0xd5: {  	s0 =	simm.s32 @!p0 $0x2  }
0xd6: {  	_ =	swait.ge @!p0 [sflag:s0], s1  }
0xd7: {  	s1 =	ssub.s32 @!p0 $0x0, s1;
	[sflag:s0] =	ssyncset.done @!p0 $0x0  }
0xd8: {  	[sflag:s0] =	ssyncadd.s32 @!p0 s1  }
0xd9: {  	[bflag:$0x3] =	sbarrier.arrive $0xFFFF  }
0xda: {  	_ =	shalt  }

// kernel: sparse-core-data-format-call.cloned.1.call-start
scs
called_computation_lowered:
.L_overlay_start_0:
0x0: {  	s2 =	sld [smem:$0x3FD9]  }
0x1: {  	s3 =	sld [smem:$0x3FFE];
	_ =	sdelay $0x1  }
0x2: {  	s1 =	srdreg.scid  }
0x3: {  	s0 =	sand.u32 $0x1, s1  }
0x4: {  	s18 =	sshll.u32 s0, $0xA;
	s2 =	sadd.s32 s3, s2  }
0x5: {  	s2 =	sadd.s32 s2, s18  }
0x6: {  	[smem:$0x3FC6] =	sst s2  }
0x7: {  	_ = 	snop  }
0x8: {  	s2 =	sld [smem:$0x3FD0];
	(tm) =	ssettm $0x1  }
0x9: {  	s19 =	sld [smem:$0x3FFB];
	_ =	sdelay $0x3  }
0xa: {  	_ =	strace s19  }
0xb: {  	s3 =	sld [smem:$0x3FFC];
	_ =	sdelay $0x3  }
0xc: {  	_ =	strace s3  }
0xd: {  	s3 =	sld [smem:$0x3FFD];
	_ =	sdelay $0x3  }
0xe: {  	_ =	strace s3  }
0xf: {  	_ =	strace $0x8FFFFFFF  }
0x10: {  	s20 =	sld [smem:$0x3FDB];
	_ =	sdelay $0x1  }
0x11: {  	s4 =	simm.s32 $_scs_section_size  }
0x12: {  	s5 =	simm.s32 $_size__tile_overlayer_lowered;
	s6 =	simm.s32 $_tile_overlayer_lowered  }
0x13: {  	s23 =	simm.s32 $0x1BFF;
	s22 =	sshll.u32 s6, $0x1;
	s3 =	sadd.s32 s4, s20  }
0x14: {  	s7 =	simm.s32 $0x0;
	s21 =	sshll.u32 s5, $0x1;
	s5 =	sadd.s32 s22, s3  }
0x15: {  	[timem:s7], [sflag:s23] =	dma.local [hbm:s5], s21  }
0x16: {  	_ =	swait.ge [sflag:s23], s21  }
0x17: {  	s4 =	ssub.s32 $0x0, s21;
	[sflag:s23] =	ssyncset.done $0x0  }
0x18: {  	[sflag:s23] =	ssyncadd.s32 s4;
	_ =	sdelay $0x1  }
0x19: {  	s24 =	simm.s32 $0x1B8B  }
0x1a: {  	_ =	swait.ge [sflag:s24], $0x1  }
0x1b: {  	[sflag:s24] =	ssyncset.done $0x0  }
0x1c: {  	s26 =	simm.s32 $0x1B8E;
	s25 =	sld [smem:$0x3FFE];
	[sflag:s24] =	ssyncadd.s32 $0xFFFFFFFF  }
0x1d: {  	s27 =	simm.s32 $execute0_lowered;
	[smem:$0x3FD2] =	sst s26  }
0x1e: {  	s5 =	sshll.u32 s27, $0x1;
	_ =	strace $0x80000050;
	[dreg:$0x1] =	wrdreg $0xFFFFFFFF  }
0x1f: {  	s28 =	simm.s32 $_size_execute0_lowered;
	s3 =	sadd.s32 s3, s5;
	[dreg:$0x0] =	wrdreg $0x0  }
0x20: {  	s5 =	sshll.u32 s28, $0x1;
	[dreg:$0x2] =	wrdreg s3  }
0x21: {  	[dreg:$0x3] =	wrdreg s5  }
0x22: {  	[dreg:$0x4] =	wrdreg $0xC0  }
0x23: {  	_ =	task [dreg:s7], $0x5FFFF  }
0x24: {  	[dreg:$0x1] =	wrdreg $0xFFFFFFFF  }
0x25: {  	[dreg:$0x0] =	wrdreg $0x60  }
0x26: {  	[dreg:$0x2] =	wrdreg s25  }
0x27: {  	[dreg:$0x3] =	wrdreg s2  }
0x28: {  	[dreg:$0x4] =	wrdreg $0x9  }
0x29: {  	_ =	task.clear_ibuf [dreg:s7], $0x5FFFF;
	_ =	strace $0x90000050  }
0x2a: {  	s29 =	simm.s32 $0x9;
	_ =	strace $0x80000052  }
0x2b: {  	_ =	swait.ge [sflag:s29], $0x1  }
0x2c: {  	[sflag:s29] =	ssyncadd.s32 $0xFFFFFFFF  }
0x2d: {  	_ =	strace $0x90000052  }
0x2e: {  	_ =	sfence  }
0x2f: {  	s30 =	sld [smem:$0x0];
	_ =	sdelay $0x2  }
0x30: {  	s31 =	sshll.u32 s1, $0xD;
	s1 =	sshrl.u32 s1, $0x2  }
0x31: {  	s3 =	sand.u32 $0x4000, s31;
	s1 =	sadd.s32 s1, s30  }
0x32: {  	s0 =	sor.u32 s3, s0;
	s1 =	sshll.u32 s1, $0x11  }
0x33: {  	s0 =	sor.u32 s1, s0  }
0x34: {  	s0 =	sadd.s32 $0x8F2B, s0  }
0x35: {  	[sflag:s0] =	ssyncadd.remote.s32 $0x1  }
0x36: {  	_ =	sfence.sel $0xFFFF  }
0x37: {  	[dreg:$0x0] =	wrdreg $0xFFFFFFFF;
	(pc) =	sbr.abs _section_cstart, $3  }
0x38: {  	[dreg:$0x1] =	wrdreg $0xFFFFFFFF  }
0x39: {  	_ =	task.clear_ibuf [dreg:s7], $0x2FFFF;
	_ =	strace $0x9FFFFFFF  }
0x3a: {  	(tm) =	ssettm $0x7FFFFFFF  }
0x3b: {  	_ =	shalt  }
tec
execute0_lowered:
.L_overlay_start_1:
0x0: {  	(tag) =	ssettag $0x1  }
0x1: {  	s0 =	srdreg.scid  }
0x2: {  	s1 =	sshll.u32 s0, $0x4  }
0x3: {  	s0 =	stileid.u32;
	s1 =	sand.u32 $0x10, s1  }
0x4: {  	s1 =	sor.u32 s0, s1  }
0x5: {  	s6 =	rddreg [dreg:$0x0];
	s4 =	simm.s32 $0x1;
	s2 =	sshll.u32 s1, $0x7  }
0x6: {  	s7 =	simm.s32 $0x2;
	s12 =	simm.s32 $0x0;
	s1 =	ssub.s32 $0x4000, s2  }
0x7: {  	s8 =	simm.s32 $0x20000;
	s13 =	simm.s32 $0x0;
	s3 =	sand.u32 $0xF80, s1  }
0x8: {  	s9 =	simm.s32 $0x0;
	s5 =	sshrl.u32 s1, $0xC;
	p0 =	sne.s32 s3, $0x0  }
.Ltmp0:
0x9: {  	s1 =	rddreg [dreg:$0x2];
	s4 =	simm.s32 @!p0 $0x0;
	(pc) =	sbr.rel .LBB1_1-.Ltmp0, $4  }
0xa: {  	s11 =	simm.s32 $0x0;
	s3 =	rddreg [dreg:$0x1];
	s5 =	sadd.s32 s4, s5  }
0xb: {  	_ =	strace $0x80000051;
	s4 =	simm.s32 $0x1;
	s5 =	smul.u32 $0xC8, s5  }
0xc: {  	s6 =	sadd.s32 $0x800, s6;
	s10 =	smov.u32 s2;
	[sflag:s4] =	ssyncpa.u1 $0x0  }
0xd: {  	p0 =	por $0x0, $0x0;
	[sflag:s7] =	ssyncpa.u1 $0x0;
	s7 =	sor.u32 $0x1, s5  }
.LBB1_4:
0xe: {  	s16 =	sshll.u32 s13, $0x3;
	s17 =	sand.u32 $0x78, s13  }
0xf: {  	s30 =	sand.u32 $0xF800, s13;
	s12 =	sshll.u32 s12, $0x10;
	s16 =	sand.u32 $0x3C00, s16  }
0x10: {  	s31 =	sand.u32 $0x7, s13;
	s16 =	sor.u32 s17, s16;
	s17 =	sadd.s32 s3, s30  }
0x11: {  	s13 =	sshll.u32 s31, $0x12;
	s16 =	sshrl.u32 s16, $0x3;
	s12 =	sadd.s32 s12, s17  }
0x12: {  	[tilespmem:s15+$0x0 ss:$0x81] =	vst.msk $0xffff, v0;
	s13 =	sor.u32 $0x400, s13;
	s12 =	sadd.s32 s16, s12  }
0x13: {  	[hbm4b:s12+s13] =	stream.strided.scatter [tilespmem:s14], [sflag:$0x2], $0x1000, s8, s13, $0x20;
	[tilespmem:$0x4040] =	vst v63  }
.LBB1_5:
0x14: {  	s14 =	sadd.s32 $0x1, s9  }
0x15: {  	s12 =	sadd.s32 $0x1000, s10;
	s16 =	smov.u32 s10;
	p2 =	sgt.s32 s14, $0xC7  }
0x16: {  	s16 =	smov.u32 @p2 s12  }
0x17: {  	s14 =	simm.s32 @p2 $0x0;
	p2 =	sgt.s32 s16, $0x3FFF  }
0x18: {  	s16 =	smov.u32 @p2 s2;
	p2 =	sne.s32 s11, s7  }
.Ltmp1:
0x19: {  	p1 =	slt.u32 s11, $0x2;
	(pc) =	sbr.rel @!p2 .LBB1_6-.Ltmp1, $4  }
0x1a: {  	s15 =	simm.s32 @!p1 $0x2  }
0x1b: {  	s13 =	smov.u32 s10;
	p0 =	por !p0, !p0;
	_ =	swait.ge @!p1 [sflag:s15], $0x1000  }
0x1c: {  	s12 =	smov.u32 s9;
	[sflag:s15] =	ssyncset.done @!p1 $0x0;
	s9 =	smov.u32 s14  }
0x1d: {  	s11 =	sadd.s32 $0x1, s11;
	[sflag:s15] =	ssyncadd.s32 @!p1 $0xFFFFF000;
	s10 =	smov.u32 s16  }
.LBB1_1:
0x1e: {  	p1 =	sge.u32 s11, s5  }
0x1f: {  	s14 =	sand.u32 @!p1 $0x1FFFFFF, s9  }
0x20: {  	s15 =	smulhi.u32 @!p1 $0x147AE15, s14;
	_ =	sdelay $0x1  }
0x21: {  	s15 =	smul.u32 @!p1 $0xC8, s15  }
0x22: {  	s16 =	sxor.u32 @!p1 $0xFFFFFFFF, s11;
	s17 =	smul.u32 @!p1 $0xC80, s10  }
0x23: {  	s31 =	sadd.s32 $0xFFFFFFFF, s11;
	s16 =	sshll.u32 @!p1 s16, $0xC;
	s14 =	ssub.s32 @!p1 s14, s15  }
0x24: {  	s15 =	sand.u32 @!p1 $0x1000, s16;
	s16 =	sadd.s32 @!p1 s6, s17;
	s14 =	sshll.u32 @!p1 s14, $0x4  }
0x25: {  	s17 =	simm.s32 @!p1 $0x6400;
	s14 =	sadd.s32 @!p1 s14, s16;
	s16 =	simm.s32 @!p1 $0x20  }
0x26: {  	[tilespmem:s15], [sflag:$0x1] =	stream.strided.gather @!p1 [hbm4b:s14+s16], $0x1000, s17, s16, $0x38;
	[tilespmem:$0x4040] =	vst v63  }
0x27: {  	p1 =	sge.u32 s31, s5  }
.Ltmp2:
0x28: {  	_ = 	snop;
	(pc) =	sbr.rel @p1 .LBB1_5-.Ltmp2, $1  }
0x29: {  	_ =	sdelay $0x3  }
0x2a: {  	s14 =	simm.s32 $0x1  }
0x2b: {  	_ =	swait.ge [sflag:s4], $0x1000;
	s14 =	simm.s32 @!p0 $0x0  }
0x2c: {  	[sflag:s4] =	ssyncset.done $0x0;
	s15 =	sshll.u32 s14, $0xC  }
0x2d: {  	[sflag:s4] =	ssyncadd.s32 $0xFFFFF000;
	s18 =	sor.u32 $0x10, s15  }
0x2e: {  	s14 =	smul.u32 $0x4080, s14;
	v1 =	vld [tilespmem:s18+$0x0]  }
0x2f: {  	s30 =	sand.u32 $0x1, s11;
	v0 =	vld [tilespmem:s18+$0xFFFFFFF0]  }
0x30: {  	s15 =	smul.u32 $0x4080, s30;
	s14 =	sshrl.u32 s14, $0x2  }
0x31: {  	s16 =	sor.u32 $0x2000, s14  }
0x32: {  	s31 =	sshrl.u32 s15, $0x2;
	s15 =	sadd.s32 $0x0, s16  }
0x33: {  	s17 =	simm.s32 $0x4;
	s18 =	sadd.s32 $0x20, s18;
	s14 =	sor.u32 $0x2000, s31;
	[tilespmem:s15+$0x810 ss:$0x81] =	vst.msk $0xffff, v1  }
.LBB1_3:
0x34: {  	v1 =	vld [tilespmem:s18+$0x0];
	p1 =	sne.s32 s17, $0x1FC;
	[tilespmem:s15+$0x0 ss:$0x81] =	vst.msk $0xffff, v0;
	s15 =	smov.u32 s17;
	s17 =	sadd.s32 $0x4, s17  }
.Ltmp3:
0x35: {  	v0 =	vld [tilespmem:s18+$0xFFFFFFF0];
	(pc) =	sbr.rel @p1 .LBB1_3-.Ltmp3, $4  }
0x36: {  	_ = 	snop  }
0x37: {  	s15 =	sshra.s32 s15, $0x2  }
0x38: {  	s15 =	sadd.s32 s15, s16  }
0x39: {  	s18 =	sadd.s32 $0x20, s18;
	[tilespmem:s15+$0x810 ss:$0x81] =	vst.msk $0xffff, v1  }
.Ltmp4:
0x3a: {  	_ = 	snop;
	(pc) =	sbr.rel .LBB1_4-.Ltmp4, $1  }
0x3b: {  	_ =	sdelay $0x3  }
.LBB1_6:
0x3c: {  	_ =	sfence.sel $0x180000  }
0x3d: {  	s2 =	simm.s32 $0x1;
	[bflag:$0x0] =	sbarrier.arrive $0xFFFF  }
0x3e: {  	s31 =	simm.s32 $0x2;
	[sflag:s2] =	ssyncpa.u1 $0x1  }
0x3f: {  	[sflag:s31] =	ssyncpa.u1 $0x1  }
0x40: {  	p0 =	sne.s32 s0, $0x0;
	_ =	strace $0x90000051  }
0x41: {  	s0 =	sadd.s32 @!p0 $0x100000, s1;
	[bflag:$0x2] =	sbarrier.arrive $0xFFFF  }
0x42: {  	[sflag:s0] =	ssyncadd.tile.s32 @!p0 $0x1;
	_ =	shalt  }
.Lfunc_end1:
_tile_overlayer_lowered:
.L_overlay_start_2:
0x43: {  	(tag) =	ssettag $0x2  }
0x44: {  	s0 =	rddreg [dreg:$0x0];
	s2 =	stileid.u32  }
0x45: {  	s1 =	rddreg [dreg:$0x1];
	p0 =	sne.s32 s2, $0x0  }
0x46: {  	s3 =	rddreg [dreg:$0x2];
	[bflag:$0x3] =	sbarrier.arrive $0xFFFF;
	s2 =	simm.s32 @!p0 $0x1C01  }
0x47: {  	[timem:s3], [sflag:s2] =	dma.local @!p0 [hbm:s0], s1  }
0x48: {  	s0 =	simm.s32 @!p0 $0x1  }
0x49: {  	_ =	swait.ge @!p0 [sflag:s0], s1  }
0x4a: {  	s1 =	ssub.s32 @!p0 $0x0, s1;
	[sflag:s0] =	ssyncset.done @!p0 $0x0  }
0x4b: {  	[sflag:s0] =	ssyncadd.s32 @!p0 s1  }
0x4c: {  	[bflag:$0x3] =	sbarrier.arrive $0xFFFF  }
0x4d: {  	_ =	shalt  }

</sc_bundles>
